<compile_context>
chip_gen: v7x
topology: tpu7x:2x2x1
jax: 0.10.2.dev20260603
libtpu: 0.0.44.dev20260713+nightly
codegen_flags: <defaults>
</compile_context>

<pallas_src>
import functools

import jax
import jax.numpy as jnp
from jax import lax
from jax.experimental import pallas as pl
from jax.experimental.pallas import tpu as pltpu
from jax.experimental.pallas import tpu_sc as plsc

B, C, N, R = 8, 2048, 8192, 5
CHUNK_N = 1024

NC = 1
NW = 16 * NC
NQ = NW // B
QLEN = B * N // NW
CAND = 256


def _proj_body(x_ref, w_ref, out_ref):
    x = x_ref[0]
    w = w_ref[...]
    out_ref[0] = jnp.sum(x * w, axis=0, keepdims=True)


def _project(in_features, conv_w):
    w_col = conv_w.reshape(C, 1)
    return pl.pallas_call(
        _proj_body,
        grid=(B, N // CHUNK_N),
        in_specs=[
            pl.BlockSpec((1, C, CHUNK_N), lambda b, n: (b, 0, n)),
            pl.BlockSpec((C, 1), lambda b, n: (0, 0)),
        ],
        out_specs=pl.BlockSpec((1, 1, CHUNK_N), lambda b, n: (b, 0, n)),
        out_shape=jax.ShapeDtypeStruct((B, 1, N), jnp.float32),
        compiler_params=pltpu.CompilerParams(
            dimension_semantics=("parallel", "parallel"),
        ),
    )(in_features, w_col)


def _select_body(agg_ref, out_ref, row_v, res_v):
    wid = lax.axis_index("s") * NC + lax.axis_index("c")
    pltpu.sync_copy(
        agg_ref.at[wid // NQ, 0, pl.ds((wid % NQ) * QLEN, QLEN)], row_v)
    neg = jnp.full((16,), -jnp.inf, jnp.float32)
    pos = jnp.full((16,), jnp.inf, jnp.float32)

    def body(i, carry):
        ts, us = list(carry[:R]), list(carry[R:])
        v = row_v[pl.ds(i * 16, 16)]
        w = v
        for k in range(R):
            hi = jnp.maximum(ts[k], w)
            w = jnp.minimum(ts[k], w)
            ts[k] = hi
        w = v
        for k in range(R):
            lo = jnp.minimum(us[k], w)
            w = jnp.maximum(us[k], w)
            us[k] = lo
        return tuple(ts) + tuple(us)

    carry = lax.fori_loop(0, QLEN // 16, body, (neg,) * R + (pos,) * R,
                          unroll=4)
    zero = jnp.zeros((16,), jnp.float32)
    for k in range(CAND // 16):
        res_v[pl.ds(16 * k, 16)] = carry[k] if k < 2 * R else zero
    pltpu.sync_copy(res_v,
                    out_ref.at[wid // NQ, 0, pl.ds((wid % NQ) * CAND, CAND)])


def _select(agg32):
    mesh = plsc.VectorSubcoreMesh(core_axis_name="c", subcore_axis_name="s",
                                  num_cores=NC)
    f = functools.partial(
        pl.kernel,
        out_type=jax.ShapeDtypeStruct((B, 1, NQ * CAND), jnp.float32),
        mesh=mesh,
        scratch_types=[
            pltpu.VMEM((QLEN,), jnp.float32),
            pltpu.VMEM((CAND,), jnp.float32),
        ],
    )(_select_body)
    return f(agg32)


def _head_body(cand_ref, b0_ref, w1_ref, b1_ref, w2_ref, b2_ref, wo_ref,
               bo_ref, out_ref):
    a = cand_ref[:, 0]
    w = a.shape[1]
    idx = lax.broadcasted_iota(jnp.int32, (B, w), 1)
    kind = (idx % CAND) // 16
    lane = lax.broadcasted_iota(jnp.int32, (B, 16), 1)
    mil = jnp.zeros((B, 16), jnp.float32)

    work = jnp.where(kind < R, a, -jnp.inf)
    for r in range(R):
        m = jnp.max(work, axis=1, keepdims=True)
        mil = jnp.where(lane == r, m, mil)
        first = jnp.min(jnp.where(work == m, idx, w), axis=1, keepdims=True)
        work = jnp.where(idx == first, -jnp.inf, work)
    work = jnp.where((kind >= R) & (kind < 2 * R), a, jnp.inf)
    for r in range(R):
        m = jnp.min(work, axis=1, keepdims=True)
        mil = jnp.where(lane == R + r, m, mil)
        first = jnp.min(jnp.where(work == m, idx, w), axis=1, keepdims=True)
        work = jnp.where(idx == first, jnp.inf, work)

    mil = mil + b0_ref[0, 0]
    x = jax.nn.sigmoid(
        jnp.dot(mil, w1_ref[...], preferred_element_type=jnp.float32)
        + b1_ref[...])
    x = jax.nn.sigmoid(
        jnp.dot(x, w2_ref[...], preferred_element_type=jnp.float32)
        + b2_ref[...])
    out_ref[...] = jax.nn.sigmoid(
        jnp.dot(x, wo_ref[...], preferred_element_type=jnp.float32)
        + bo_ref[...])


def _head(cand, conv_b, fc1_w, fc1_b, fc2_w, fc2_b, fco_w, fco_b):
    n1, n2 = fc1_w.shape[0], fc2_w.shape[0]
    w1 = jnp.zeros((16, n1), jnp.float32).at[:2 * R].set(fc1_w.T)
    return pl.pallas_call(
        _head_body,
        out_shape=jax.ShapeDtypeStruct((B, 1), jnp.float32),
    )(cand, conv_b.reshape(1, 1), w1, fc1_b.reshape(1, n1), fc2_w.T,
      fc2_b.reshape(1, n2), fco_w.T, fco_b.reshape(1, 1))


def kernel(in_features, conv_w, conv_b, fc1_w, fc1_b, fc2_w, fc2_b, fco_w,
           fco_b):
    agg = _project(in_features, conv_w)
    cand = _select(agg)
    out = _head(cand, conv_b, fc1_w, fc1_b, fc2_w, fc2_b, fco_w, fco_b)
    return out.reshape(B, 1, 1)

# --- scband reference (transcript-rebuilt; emitter-appended) ---
"""Pipeline reference for scband-chowder-50268297232480 (READ-ONLY COPY).

The authoritative reference and input builder live on the scoring server;
editing this copy changes nothing except your own understanding.
"""

import jax, jax.numpy as jnp
import numpy as np

B, C, N, R = 8, 2048, 8192, 5
NEURONS = (200, 100)


def setup_inputs(seed: int = 0) -> dict:
    key = jax.random.key(seed)
    ks = jax.random.split(key, 9)
    inp = {}
    inp["in_features"] = jax.random.normal(ks[0], (B, C, N), dtype=jnp.float32)
    # conv1d(input_size=2048, 1, kernel_size=1): weight [out=1, in=C, k=1] -> [1, C]
    s = 1.0 / np.sqrt(C)
    inp["conv_w"] = jax.random.uniform(ks[1], (1, C), jnp.float32, -s, s)
    inp["conv_b"] = jax.random.uniform(ks[2], (1,), jnp.float32, -s, s)
    s1 = 1.0 / np.sqrt(2 * R)
    inp["fc1_w"] = jax.random.uniform(ks[3], (NEURONS[0], 2 * R), jnp.float32, -s1, s1)
    inp["fc1_b"] = jax.random.uniform(ks[4], (NEURONS[0],), jnp.float32, -s1, s1)
    s2 = 1.0 / np.sqrt(NEURONS[0])
    inp["fc2_w"] = jax.random.uniform(ks[5], (NEURONS[1], NEURONS[0]), jnp.float32, -s2, s2)
    inp["fc2_b"] = jax.random.uniform(ks[6], (NEURONS[1],), jnp.float32, -s2, s2)
    s3 = 1.0 / np.sqrt(NEURONS[1])
    inp["fco_w"] = jax.random.uniform(ks[7], (1, NEURONS[1]), jnp.float32, -s3, s3)
    inp["fco_b"] = jax.random.uniform(ks[8], (1,), jnp.float32, -s3, s3)
    return inp


def reference(in_features, conv_w, conv_b, fc1_w, fc1_b, fc2_w, fc2_b, fco_w, fco_b):
    # conv1d with kernel size 1 == per-tile linear projection C -> 1
    agg = jnp.einsum('bcn,oc->bon', in_features, conv_w) + conv_b[None, :, None]  # [B, 1, N]
    # top-R (largest, descending) along last dim
    top_features, _ = jax.lax.top_k(agg, R)  # [B, 1, R]
    # bottom-R (smallest, ascending) along last dim
    neg_evidence = -jax.lax.top_k(-agg, R)[0]  # [B, 1, R]
    mil = jnp.concatenate([top_features, neg_evidence], axis=2)  # [B, 1, 2R]
    x = jax.nn.sigmoid(mil @ fc1_w.T + fc1_b)
    x = jax.nn.sigmoid(x @ fc2_w.T + fc2_b)
    # dropout is identity in eval mode (deterministic reference)
    out = jax.nn.sigmoid(x @ fco_w.T + fco_b)  # [B, 1, 1]
    return out

if __name__ == "__main__":
    import jax
    _d = setup_inputs()
    print(jax.jit(kernel)(*tuple(_d.values())))

</pallas_src>

<mosaic_0001>
#map = affine_map<(d0, d1) -> (0, 0, 0)>
module attributes {stable_mosaic.version = 14 : i64} {
  func.func @_select_body(%arg0: i32, %arg1: i32, %arg2: memref<8x1x8192xf32, #tpu.memory_space<hbm>>, %arg3: memref<8x1x512xf32, #tpu.memory_space<hbm>>, %arg4: memref<4096xf32, #tpu.memory_space<vmem>>, %arg5: memref<256xf32, #tpu.memory_space<vmem>>) attributes {dimension_semantics = [#tpu.dimension_semantics<core_parallel>, #tpu.dimension_semantics<subcore_parallel>], iteration_bounds = array<i64: 1, 16>, scalar_prefetch = 0 : i64, scratch_operands = 2 : i64, tpu.core_type = #tpu.core_type<sc_vector_subcore>, window_params = [{transform_indices = #map}, {transform_indices = #map}]} {
    %mul3A = arith.constant 1 : i32
    %mul3A_0 = arith.muli %arg1, %mul3A : i32
    %add3A = arith.addi %mul3A_0, %arg0 : i32
    %jit3A = arith.constant 2 : i32
    %div3A = arith.divsi %add3A, %jit3A : i32
    %sign3A = arith.constant 0 : i32
    %sign3A_1 = arith.cmpi sgt, %add3A, %sign3A : i32
    %sign3A_2 = arith.extui %sign3A_1 : i1 to i32
    %sign3A_3 = arith.constant 0 : i32
    %sign3A_4 = arith.cmpi slt, %add3A, %sign3A_3 : i32
    %sign3A_5 = arith.extui %sign3A_4 : i1 to i32
    %sign3A_6 = arith.subi %sign3A_2, %sign3A_5 : i32
    %sign3A_7 = arith.constant 0 : i32
    %sign3A_8 = arith.cmpi sgt, %jit3A, %sign3A_7 : i32
    %sign3A_9 = arith.extui %sign3A_8 : i1 to i32
    %sign3A_10 = arith.constant 0 : i32
    %sign3A_11 = arith.cmpi slt, %jit3A, %sign3A_10 : i32
    %sign3A_12 = arith.extui %sign3A_11 : i1 to i32
    %sign3A_13 = arith.subi %sign3A_9, %sign3A_12 : i32
    %ne3A = arith.cmpi ne, %sign3A_6, %sign3A_13 : i32
    %rem3A = arith.remsi %add3A, %jit3A : i32
    %ne3A_14 = arith.constant 0 : i32
    %ne3A_15 = arith.cmpi ne, %rem3A, %ne3A_14 : i32
    %and3A = arith.andi %ne3A, %ne3A_15 : i1
    %sub3A = arith.constant 1 : i32
    %sub3A_16 = arith.subi %div3A, %sub3A : i32
    %select_n3A = arith.select %and3A, %sub3A_16, %div3A : i32
    %jit3A_17 = arith.constant 2 : i32
    %eq3A = arith.constant 0 : i32
    %eq3A_18 = arith.cmpi eq, %jit3A_17, %eq3A : i32
    %jit3A_19 = arith.constant 1 : i32
    %select_n3A_20 = arith.select %eq3A_18, %jit3A_19, %jit3A_17 : i32
    %rem3A_21 = arith.remsi %add3A, %select_n3A_20 : i32
    %ne3A_22 = arith.constant 0 : i32
    %ne3A_23 = arith.cmpi ne, %rem3A_21, %ne3A_22 : i32
    %lt3A = arith.constant 0 : i32
    %lt3A_24 = arith.cmpi slt, %rem3A_21, %lt3A : i32
    %lt3A_25 = arith.constant 0 : i32
    %lt3A_26 = arith.cmpi slt, %select_n3A_20, %lt3A_25 : i32
    %ne3A_27 = arith.xori %lt3A_24, %lt3A_26 : i1
    %and3A_28 = arith.andi %ne3A_27, %ne3A_23 : i1
    %add3A_29 = arith.addi %rem3A_21, %select_n3A_20 : i32
    %select_n3A_30 = arith.select %and3A_28, %add3A_29, %rem3A_21 : i32
    %mul3A_31 = arith.constant 4096 : i32
    %mul3A_32 = arith.muli %select_n3A_30, %mul3A_31 : i32
    %run_scoped3A = arith.constant 0 : i32
    "tpu.region"() ({
      %run_scoped3A_149 = tpu.sem_alloc : memref<!tpu.dma_semaphore, #tpu.memory_space<semaphore_mem>>
      %dma_start3A = tpu.memref_slice %arg2[%select_n3A, %run_scoped3A, %mul3A_32] : memref<8x1x8192xf32, #tpu.memory_space<hbm>> -> memref<1x1x4096xf32, #tpu.memory_space<hbm>>
      %dma_start3A_150 = tpu.memref_squeeze %dma_start3A : memref<1x1x4096xf32, #tpu.memory_space<hbm>> -> memref<4096xf32, #tpu.memory_space<hbm>>
      %dma_start3A_151 = tpu.memref_slice %arg2[%select_n3A, %run_scoped3A, %mul3A_32] : memref<8x1x8192xf32, #tpu.memory_space<hbm>> -> memref<1x1x4096xf32, #tpu.memory_space<hbm>>
      %dma_start3A_152 = tpu.memref_squeeze %dma_start3A_151 : memref<1x1x4096xf32, #tpu.memory_space<hbm>> -> memref<4096xf32, #tpu.memory_space<hbm>>
      tpu.enqueue_dma source(%dma_start3A_152 : memref<4096xf32, #tpu.memory_space<hbm>>) target(%arg4 : memref<4096xf32, #tpu.memory_space<vmem>>) target_semaphore(%run_scoped3A_149 : memref<!tpu.dma_semaphore, #tpu.memory_space<semaphore_mem>>)
      %dma_wait3A = tpu.memref_slice %arg2[%select_n3A, %run_scoped3A, %mul3A_32] : memref<8x1x8192xf32, #tpu.memory_space<hbm>> -> memref<1x1x4096xf32, #tpu.memory_space<hbm>>
      %dma_wait3A_153 = tpu.memref_squeeze %dma_wait3A : memref<1x1x4096xf32, #tpu.memory_space<hbm>> -> memref<4096xf32, #tpu.memory_space<hbm>>
      %dma_wait3A_154 = tpu.memref_slice %arg2[%select_n3A, %run_scoped3A, %mul3A_32] : memref<8x1x8192xf32, #tpu.memory_space<hbm>> -> memref<1x1x4096xf32, #tpu.memory_space<hbm>>
      %dma_wait3A_155 = tpu.memref_squeeze %dma_wait3A_154 : memref<1x1x4096xf32, #tpu.memory_space<hbm>> -> memref<4096xf32, #tpu.memory_space<hbm>>
      tpu.wait_dma2 semaphore(%run_scoped3A_149 : memref<!tpu.dma_semaphore, #tpu.memory_space<semaphore_mem>>) src(%dma_wait3A_155 : memref<4096xf32, #tpu.memory_space<hbm>>) dst(%arg4 : memref<4096xf32, #tpu.memory_space<vmem>>)
      tpu.yield
    }) : () -> ()
    %broadcast_in_dim3A = arith.constant 0xFF800000 : f32
    %broadcast_in_dim3A_33 = vector.broadcast %broadcast_in_dim3A : f32 to vector<16xf32>
    %broadcast_in_dim3A_34 = arith.constant 0x7F800000 : f32
    %broadcast_in_dim3A_35 = vector.broadcast %broadcast_in_dim3A_34 : f32 to vector<16xf32>
    %scan3A = arith.constant 0 : i32
    %scan3A_36 = arith.constant 256 : i32
    %scan3A_37 = arith.addi %scan3A, %scan3A_36 : i32
    %scan3A_38 = arith.constant 4 : i32
    %scan3A_39:10 = scf.for %scan3A_149 = %scan3A to %scan3A_37 step %scan3A_38 iter_args(%scan3A_150 = %broadcast_in_dim3A_33, %scan3A_151 = %broadcast_in_dim3A_33, %scan3A_152 = %broadcast_in_dim3A_33, %scan3A_153 = %broadcast_in_dim3A_33, %scan3A_154 = %broadcast_in_dim3A_33, %scan3A_155 = %broadcast_in_dim3A_35, %scan3A_156 = %broadcast_in_dim3A_35, %scan3A_157 = %broadcast_in_dim3A_35, %scan3A_158 = %broadcast_in_dim3A_35, %scan3A_159 = %broadcast_in_dim3A_35) -> (vector<16xf32>, vector<16xf32>, vector<16xf32>, vector<16xf32>, vector<16xf32>, vector<16xf32>, vector<16xf32>, vector<16xf32>, vector<16xf32>, vector<16xf32>)  : i32 {
      %mul3A_160 = arith.constant 16 : i32
      %mul3A_161 = arith.muli %scan3A_149, %mul3A_160 : i32
      %get3A = arith.index_cast %mul3A_161 : i32 to index
      %get3A_162 = tpu.vector_load %arg4[%get3A] {strides = array<i32>} : memref<4096xf32, #tpu.memory_space<vmem>>, vector<16xf32>,
      %get3A_163 = vector.shape_cast %get3A_162 : vector<16xf32> to vector<16xf32>
      %max3A = arith.maximumf %scan3A_150, %get3A_163 : vector<16xf32>
      %min3A = arith.minimumf %scan3A_150, %get3A_163 : vector<16xf32>
      %max3A_164 = arith.maximumf %scan3A_151, %min3A : vector<16xf32>
      %min3A_165 = arith.minimumf %scan3A_151, %min3A : vector<16xf32>
      %max3A_166 = arith.maximumf %scan3A_152, %min3A_165 : vector<16xf32>
      %min3A_167 = arith.minimumf %scan3A_152, %min3A_165 : vector<16xf32>
      %max3A_168 = arith.maximumf %scan3A_153, %min3A_167 : vector<16xf32>
      %min3A_169 = arith.minimumf %scan3A_153, %min3A_167 : vector<16xf32>
      %max3A_170 = arith.maximumf %scan3A_154, %min3A_169 : vector<16xf32>
      %min3A_171 = arith.minimumf %scan3A_154, %min3A_169 : vector<16xf32>
      %min3A_172 = arith.minimumf %scan3A_155, %get3A_163 : vector<16xf32>
      %max3A_173 = arith.maximumf %scan3A_155, %get3A_163 : vector<16xf32>
      %min3A_174 = arith.minimumf %scan3A_156, %max3A_173 : vector<16xf32>
      %max3A_175 = arith.maximumf %scan3A_156, %max3A_173 : vector<16xf32>
      %min3A_176 = arith.minimumf %scan3A_157, %max3A_175 : vector<16xf32>
      %max3A_177 = arith.maximumf %scan3A_157, %max3A_175 : vector<16xf32>
      %min3A_178 = arith.minimumf %scan3A_158, %max3A_177 : vector<16xf32>
      %max3A_179 = arith.maximumf %scan3A_158, %max3A_177 : vector<16xf32>
      %min3A_180 = arith.minimumf %scan3A_159, %max3A_179 : vector<16xf32>
      %max3A_181 = arith.maximumf %scan3A_159, %max3A_179 : vector<16xf32>
      %scan3A_182 = arith.constant 1 : i32
      %scan3A_183 = arith.addi %scan3A_149, %scan3A_182 : i32
      %mul3A_184 = arith.constant 16 : i32
      %mul3A_185 = arith.muli %scan3A_183, %mul3A_184 : i32
      %get3A_186 = arith.index_cast %mul3A_185 : i32 to index
      %get3A_187 = tpu.vector_load %arg4[%get3A_186] {strides = array<i32>} : memref<4096xf32, #tpu.memory_space<vmem>>, vector<16xf32>,
      %get3A_188 = vector.shape_cast %get3A_187 : vector<16xf32> to vector<16xf32>
      %max3A_189 = arith.maximumf %max3A, %get3A_188 : vector<16xf32>
      %min3A_190 = arith.minimumf %max3A, %get3A_188 : vector<16xf32>
      %max3A_191 = arith.maximumf %max3A_164, %min3A_190 : vector<16xf32>
      %min3A_192 = arith.minimumf %max3A_164, %min3A_190 : vector<16xf32>
      %max3A_193 = arith.maximumf %max3A_166, %min3A_192 : vector<16xf32>
      %min3A_194 = arith.minimumf %max3A_166, %min3A_192 : vector<16xf32>
      %max3A_195 = arith.maximumf %max3A_168, %min3A_194 : vector<16xf32>
      %min3A_196 = arith.minimumf %max3A_168, %min3A_194 : vector<16xf32>
      %max3A_197 = arith.maximumf %max3A_170, %min3A_196 : vector<16xf32>
      %min3A_198 = arith.minimumf %max3A_170, %min3A_196 : vector<16xf32>
      %min3A_199 = arith.minimumf %min3A_172, %get3A_188 : vector<16xf32>
      %max3A_200 = arith.maximumf %min3A_172, %get3A_188 : vector<16xf32>
      %min3A_201 = arith.minimumf %min3A_174, %max3A_200 : vector<16xf32>
      %max3A_202 = arith.maximumf %min3A_174, %max3A_200 : vector<16xf32>
      %min3A_203 = arith.minimumf %min3A_176, %max3A_202 : vector<16xf32>
      %max3A_204 = arith.maximumf %min3A_176, %max3A_202 : vector<16xf32>
      %min3A_205 = arith.minimumf %min3A_178, %max3A_204 : vector<16xf32>
      %max3A_206 = arith.maximumf %min3A_178, %max3A_204 : vector<16xf32>
      %min3A_207 = arith.minimumf %min3A_180, %max3A_206 : vector<16xf32>
      %max3A_208 = arith.maximumf %min3A_180, %max3A_206 : vector<16xf32>
      %scan3A_209 = arith.constant 2 : i32
      %scan3A_210 = arith.addi %scan3A_149, %scan3A_209 : i32
      %mul3A_211 = arith.constant 16 : i32
      %mul3A_212 = arith.muli %scan3A_210, %mul3A_211 : i32
      %get3A_213 = arith.index_cast %mul3A_212 : i32 to index
      %get3A_214 = tpu.vector_load %arg4[%get3A_213] {strides = array<i32>} : memref<4096xf32, #tpu.memory_space<vmem>>, vector<16xf32>,
      %get3A_215 = vector.shape_cast %get3A_214 : vector<16xf32> to vector<16xf32>
      %max3A_216 = arith.maximumf %max3A_189, %get3A_215 : vector<16xf32>
      %min3A_217 = arith.minimumf %max3A_189, %get3A_215 : vector<16xf32>
      %max3A_218 = arith.maximumf %max3A_191, %min3A_217 : vector<16xf32>
      %min3A_219 = arith.minimumf %max3A_191, %min3A_217 : vector<16xf32>
      %max3A_220 = arith.maximumf %max3A_193, %min3A_219 : vector<16xf32>
      %min3A_221 = arith.minimumf %max3A_193, %min3A_219 : vector<16xf32>
      %max3A_222 = arith.maximumf %max3A_195, %min3A_221 : vector<16xf32>
      %min3A_223 = arith.minimumf %max3A_195, %min3A_221 : vector<16xf32>
      %max3A_224 = arith.maximumf %max3A_197, %min3A_223 : vector<16xf32>
      %min3A_225 = arith.minimumf %max3A_197, %min3A_223 : vector<16xf32>
      %min3A_226 = arith.minimumf %min3A_199, %get3A_215 : vector<16xf32>
      %max3A_227 = arith.maximumf %min3A_199, %get3A_215 : vector<16xf32>
      %min3A_228 = arith.minimumf %min3A_201, %max3A_227 : vector<16xf32>
      %max3A_229 = arith.maximumf %min3A_201, %max3A_227 : vector<16xf32>
      %min3A_230 = arith.minimumf %min3A_203, %max3A_229 : vector<16xf32>
      %max3A_231 = arith.maximumf %min3A_203, %max3A_229 : vector<16xf32>
      %min3A_232 = arith.minimumf %min3A_205, %max3A_231 : vector<16xf32>
      %max3A_233 = arith.maximumf %min3A_205, %max3A_231 : vector<16xf32>
      %min3A_234 = arith.minimumf %min3A_207, %max3A_233 : vector<16xf32>
      %max3A_235 = arith.maximumf %min3A_207, %max3A_233 : vector<16xf32>
      %scan3A_236 = arith.constant 3 : i32
      %scan3A_237 = arith.addi %scan3A_149, %scan3A_236 : i32
      %mul3A_238 = arith.constant 16 : i32
      %mul3A_239 = arith.muli %scan3A_237, %mul3A_238 : i32
      %get3A_240 = arith.index_cast %mul3A_239 : i32 to index
      %get3A_241 = tpu.vector_load %arg4[%get3A_240] {strides = array<i32>} : memref<4096xf32, #tpu.memory_space<vmem>>, vector<16xf32>,
      %get3A_242 = vector.shape_cast %get3A_241 : vector<16xf32> to vector<16xf32>
      %max3A_243 = arith.maximumf %max3A_216, %get3A_242 : vector<16xf32>
      %min3A_244 = arith.minimumf %max3A_216, %get3A_242 : vector<16xf32>
      %max3A_245 = arith.maximumf %max3A_218, %min3A_244 : vector<16xf32>
      %min3A_246 = arith.minimumf %max3A_218, %min3A_244 : vector<16xf32>
      %max3A_247 = arith.maximumf %max3A_220, %min3A_246 : vector<16xf32>
      %min3A_248 = arith.minimumf %max3A_220, %min3A_246 : vector<16xf32>
      %max3A_249 = arith.maximumf %max3A_222, %min3A_248 : vector<16xf32>
      %min3A_250 = arith.minimumf %max3A_222, %min3A_248 : vector<16xf32>
      %max3A_251 = arith.maximumf %max3A_224, %min3A_250 : vector<16xf32>
      %min3A_252 = arith.minimumf %max3A_224, %min3A_250 : vector<16xf32>
      %min3A_253 = arith.minimumf %min3A_226, %get3A_242 : vector<16xf32>
      %max3A_254 = arith.maximumf %min3A_226, %get3A_242 : vector<16xf32>
      %min3A_255 = arith.minimumf %min3A_228, %max3A_254 : vector<16xf32>
      %max3A_256 = arith.maximumf %min3A_228, %max3A_254 : vector<16xf32>
      %min3A_257 = arith.minimumf %min3A_230, %max3A_256 : vector<16xf32>
      %max3A_258 = arith.maximumf %min3A_230, %max3A_256 : vector<16xf32>
      %min3A_259 = arith.minimumf %min3A_232, %max3A_258 : vector<16xf32>
      %max3A_260 = arith.maximumf %min3A_232, %max3A_258 : vector<16xf32>
      %min3A_261 = arith.minimumf %min3A_234, %max3A_260 : vector<16xf32>
      %max3A_262 = arith.maximumf %min3A_234, %max3A_260 : vector<16xf32>
      scf.yield %max3A_243, %max3A_245, %max3A_247, %max3A_249, %max3A_251, %min3A_253, %min3A_255, %min3A_257, %min3A_259, %min3A_261 : vector<16xf32>, vector<16xf32>, vector<16xf32>, vector<16xf32>, vector<16xf32>, vector<16xf32>, vector<16xf32>, vector<16xf32>, vector<16xf32>, vector<16xf32>
    }
    %scan3A_40 = arith.constant 256 : i32
    %broadcast_in_dim3A_41 = arith.constant 0.000000e+00 : f32
    %broadcast_in_dim3A_42 = vector.broadcast %broadcast_in_dim3A_41 : f32 to vector<16xf32>
    %swap3A = arith.constant 0 : index
    %swap3A_43 = tpu.vector_load %arg5[%swap3A] {strides = array<i32>} : memref<256xf32, #tpu.memory_space<vmem>>, vector<16xf32>,
    %swap3A_44 = vector.shape_cast %swap3A_43 : vector<16xf32> to vector<16xf32>
    %swap3A_45 = vector.shape_cast %scan3A_39#0 : vector<16xf32> to vector<16xf32>
    tpu.vector_store %arg5[%swap3A], %swap3A_45 {strides = array<i32>} : memref<256xf32, #tpu.memory_space<vmem>>, vector<16xf32>,
    %swap3A_46 = arith.constant 16 : index
    %swap3A_47 = tpu.vector_load %arg5[%swap3A_46] {strides = array<i32>} : memref<256xf32, #tpu.memory_space<vmem>>, vector<16xf32>,
    %swap3A_48 = vector.shape_cast %swap3A_47 : vector<16xf32> to vector<16xf32>
    %swap3A_49 = vector.shape_cast %scan3A_39#1 : vector<16xf32> to vector<16xf32>
    tpu.vector_store %arg5[%swap3A_46], %swap3A_49 {strides = array<i32>} : memref<256xf32, #tpu.memory_space<vmem>>, vector<16xf32>,
    %swap3A_50 = arith.constant 32 : index
    %swap3A_51 = tpu.vector_load %arg5[%swap3A_50] {strides = array<i32>} : memref<256xf32, #tpu.memory_space<vmem>>, vector<16xf32>,
    %swap3A_52 = vector.shape_cast %swap3A_51 : vector<16xf32> to vector<16xf32>
    %swap3A_53 = vector.shape_cast %scan3A_39#2 : vector<16xf32> to vector<16xf32>
    tpu.vector_store %arg5[%swap3A_50], %swap3A_53 {strides = array<i32>} : memref<256xf32, #tpu.memory_space<vmem>>, vector<16xf32>,
    %swap3A_54 = arith.constant 48 : index
    %swap3A_55 = tpu.vector_load %arg5[%swap3A_54] {strides = array<i32>} : memref<256xf32, #tpu.memory_space<vmem>>, vector<16xf32>,
    %swap3A_56 = vector.shape_cast %swap3A_55 : vector<16xf32> to vector<16xf32>
    %swap3A_57 = vector.shape_cast %scan3A_39#3 : vector<16xf32> to vector<16xf32>
    tpu.vector_store %arg5[%swap3A_54], %swap3A_57 {strides = array<i32>} : memref<256xf32, #tpu.memory_space<vmem>>, vector<16xf32>,
    %swap3A_58 = arith.constant 64 : index
    %swap3A_59 = tpu.vector_load %arg5[%swap3A_58] {strides = array<i32>} : memref<256xf32, #tpu.memory_space<vmem>>, vector<16xf32>,
    %swap3A_60 = vector.shape_cast %swap3A_59 : vector<16xf32> to vector<16xf32>
    %swap3A_61 = vector.shape_cast %scan3A_39#4 : vector<16xf32> to vector<16xf32>
    tpu.vector_store %arg5[%swap3A_58], %swap3A_61 {strides = array<i32>} : memref<256xf32, #tpu.memory_space<vmem>>, vector<16xf32>,
    %swap3A_62 = arith.constant 80 : index
    %swap3A_63 = tpu.vector_load %arg5[%swap3A_62] {strides = array<i32>} : memref<256xf32, #tpu.memory_space<vmem>>, vector<16xf32>,
    %swap3A_64 = vector.shape_cast %swap3A_63 : vector<16xf32> to vector<16xf32>
    %swap3A_65 = vector.shape_cast %scan3A_39#5 : vector<16xf32> to vector<16xf32>
    tpu.vector_store %arg5[%swap3A_62], %swap3A_65 {strides = array<i32>} : memref<256xf32, #tpu.memory_space<vmem>>, vector<16xf32>,
    %swap3A_66 = arith.constant 96 : index
    %swap3A_67 = tpu.vector_load %arg5[%swap3A_66] {strides = array<i32>} : memref<256xf32, #tpu.memory_space<vmem>>, vector<16xf32>,
    %swap3A_68 = vector.shape_cast %swap3A_67 : vector<16xf32> to vector<16xf32>
    %swap3A_69 = vector.shape_cast %scan3A_39#6 : vector<16xf32> to vector<16xf32>
    tpu.vector_store %arg5[%swap3A_66], %swap3A_69 {strides = array<i32>} : memref<256xf32, #tpu.memory_space<vmem>>, vector<16xf32>,
    %swap3A_70 = arith.constant 112 : index
    %swap3A_71 = tpu.vector_load %arg5[%swap3A_70] {strides = array<i32>} : memref<256xf32, #tpu.memory_space<vmem>>, vector<16xf32>,
    %swap3A_72 = vector.shape_cast %swap3A_71 : vector<16xf32> to vector<16xf32>
    %swap3A_73 = vector.shape_cast %scan3A_39#7 : vector<16xf32> to vector<16xf32>
    tpu.vector_store %arg5[%swap3A_70], %swap3A_73 {strides = array<i32>} : memref<256xf32, #tpu.memory_space<vmem>>, vector<16xf32>,
    %swap3A_74 = arith.constant 128 : index
    %swap3A_75 = tpu.vector_load %arg5[%swap3A_74] {strides = array<i32>} : memref<256xf32, #tpu.memory_space<vmem>>, vector<16xf32>,
    %swap3A_76 = vector.shape_cast %swap3A_75 : vector<16xf32> to vector<16xf32>
    %swap3A_77 = vector.shape_cast %scan3A_39#8 : vector<16xf32> to vector<16xf32>
    tpu.vector_store %arg5[%swap3A_74], %swap3A_77 {strides = array<i32>} : memref<256xf32, #tpu.memory_space<vmem>>, vector<16xf32>,
    %swap3A_78 = arith.constant 144 : index
    %swap3A_79 = tpu.vector_load %arg5[%swap3A_78] {strides = array<i32>} : memref<256xf32, #tpu.memory_space<vmem>>, vector<16xf32>,
    %swap3A_80 = vector.shape_cast %swap3A_79 : vector<16xf32> to vector<16xf32>
    %swap3A_81 = vector.shape_cast %scan3A_39#9 : vector<16xf32> to vector<16xf32>
    tpu.vector_store %arg5[%swap3A_78], %swap3A_81 {strides = array<i32>} : memref<256xf32, #tpu.memory_space<vmem>>, vector<16xf32>,
    %swap3A_82 = arith.constant 160 : index
    %swap3A_83 = tpu.vector_load %arg5[%swap3A_82] {strides = array<i32>} : memref<256xf32, #tpu.memory_space<vmem>>, vector<16xf32>,
    %swap3A_84 = vector.shape_cast %swap3A_83 : vector<16xf32> to vector<16xf32>
    %swap3A_85 = vector.shape_cast %broadcast_in_dim3A_42 : vector<16xf32> to vector<16xf32>
    tpu.vector_store %arg5[%swap3A_82], %swap3A_85 {strides = array<i32>} : memref<256xf32, #tpu.memory_space<vmem>>, vector<16xf32>,
    %swap3A_86 = arith.constant 176 : index
    %swap3A_87 = tpu.vector_load %arg5[%swap3A_86] {strides = array<i32>} : memref<256xf32, #tpu.memory_space<vmem>>, vector<16xf32>,
    %swap3A_88 = vector.shape_cast %swap3A_87 : vector<16xf32> to vector<16xf32>
    %swap3A_89 = vector.shape_cast %broadcast_in_dim3A_42 : vector<16xf32> to vector<16xf32>
    tpu.vector_store %arg5[%swap3A_86], %swap3A_89 {strides = array<i32>} : memref<256xf32, #tpu.memory_space<vmem>>, vector<16xf32>,
    %swap3A_90 = arith.constant 192 : index
    %swap3A_91 = tpu.vector_load %arg5[%swap3A_90] {strides = array<i32>} : memref<256xf32, #tpu.memory_space<vmem>>, vector<16xf32>,
    %swap3A_92 = vector.shape_cast %swap3A_91 : vector<16xf32> to vector<16xf32>
    %swap3A_93 = vector.shape_cast %broadcast_in_dim3A_42 : vector<16xf32> to vector<16xf32>
    tpu.vector_store %arg5[%swap3A_90], %swap3A_93 {strides = array<i32>} : memref<256xf32, #tpu.memory_space<vmem>>, vector<16xf32>,
    %swap3A_94 = arith.constant 208 : index
    %swap3A_95 = tpu.vector_load %arg5[%swap3A_94] {strides = array<i32>} : memref<256xf32, #tpu.memory_space<vmem>>, vector<16xf32>,
    %swap3A_96 = vector.shape_cast %swap3A_95 : vector<16xf32> to vector<16xf32>
    %swap3A_97 = vector.shape_cast %broadcast_in_dim3A_42 : vector<16xf32> to vector<16xf32>
    tpu.vector_store %arg5[%swap3A_94], %swap3A_97 {strides = array<i32>} : memref<256xf32, #tpu.memory_space<vmem>>, vector<16xf32>,
    %swap3A_98 = arith.constant 224 : index
    %swap3A_99 = tpu.vector_load %arg5[%swap3A_98] {strides = array<i32>} : memref<256xf32, #tpu.memory_space<vmem>>, vector<16xf32>,
    %swap3A_100 = vector.shape_cast %swap3A_99 : vector<16xf32> to vector<16xf32>
    %swap3A_101 = vector.shape_cast %broadcast_in_dim3A_42 : vector<16xf32> to vector<16xf32>
    tpu.vector_store %arg5[%swap3A_98], %swap3A_101 {strides = array<i32>} : memref<256xf32, #tpu.memory_space<vmem>>, vector<16xf32>,
    %swap3A_102 = arith.constant 240 : index
    %swap3A_103 = tpu.vector_load %arg5[%swap3A_102] {strides = array<i32>} : memref<256xf32, #tpu.memory_space<vmem>>, vector<16xf32>,
    %swap3A_104 = vector.shape_cast %swap3A_103 : vector<16xf32> to vector<16xf32>
    %swap3A_105 = vector.shape_cast %broadcast_in_dim3A_42 : vector<16xf32> to vector<16xf32>
    tpu.vector_store %arg5[%swap3A_102], %swap3A_105 {strides = array<i32>} : memref<256xf32, #tpu.memory_space<vmem>>, vector<16xf32>,
    %jit3A_106 = arith.constant 2 : i32
    %div3A_107 = arith.divsi %add3A, %jit3A_106 : i32
    %sign3A_108 = arith.constant 0 : i32
    %sign3A_109 = arith.cmpi sgt, %add3A, %sign3A_108 : i32
    %sign3A_110 = arith.extui %sign3A_109 : i1 to i32
    %sign3A_111 = arith.constant 0 : i32
    %sign3A_112 = arith.cmpi slt, %add3A, %sign3A_111 : i32
    %sign3A_113 = arith.extui %sign3A_112 : i1 to i32
    %sign3A_114 = arith.subi %sign3A_110, %sign3A_113 : i32
    %sign3A_115 = arith.constant 0 : i32
    %sign3A_116 = arith.cmpi sgt, %jit3A_106, %sign3A_115 : i32
    %sign3A_117 = arith.extui %sign3A_116 : i1 to i32
    %sign3A_118 = arith.constant 0 : i32
    %sign3A_119 = arith.cmpi slt, %jit3A_106, %sign3A_118 : i32
    %sign3A_120 = arith.extui %sign3A_119 : i1 to i32
    %sign3A_121 = arith.subi %sign3A_117, %sign3A_120 : i32
    %ne3A_122 = arith.cmpi ne, %sign3A_114, %sign3A_121 : i32
    %rem3A_123 = arith.remsi %add3A, %jit3A_106 : i32
    %ne3A_124 = arith.constant 0 : i32
    %ne3A_125 = arith.cmpi ne, %rem3A_123, %ne3A_124 : i32
    %and3A_126 = arith.andi %ne3A_122, %ne3A_125 : i1
    %sub3A_127 = arith.constant 1 : i32
    %sub3A_128 = arith.subi %div3A_107, %sub3A_127 : i32
    %select_n3A_129 = arith.select %and3A_126, %sub3A_128, %div3A_107 : i32
    %jit3A_130 = arith.constant 2 : i32
    %eq3A_131 = arith.constant 0 : i32
    %eq3A_132 = arith.cmpi eq, %jit3A_130, %eq3A_131 : i32
    %jit3A_133 = arith.constant 1 : i32
    %select_n3A_134 = arith.select %eq3A_132, %jit3A_133, %jit3A_130 : i32
    %rem3A_135 = arith.remsi %add3A, %select_n3A_134 : i32
    %ne3A_136 = arith.constant 0 : i32
    %ne3A_137 = arith.cmpi ne, %rem3A_135, %ne3A_136 : i32
    %lt3A_138 = arith.constant 0 : i32
    %lt3A_139 = arith.cmpi slt, %rem3A_135, %lt3A_138 : i32
    %lt3A_140 = arith.constant 0 : i32
    %lt3A_141 = arith.cmpi slt, %select_n3A_134, %lt3A_140 : i32
    %ne3A_142 = arith.xori %lt3A_139, %lt3A_141 : i1
    %and3A_143 = arith.andi %ne3A_142, %ne3A_137 : i1
    %add3A_144 = arith.addi %rem3A_135, %select_n3A_134 : i32
    %select_n3A_145 = arith.select %and3A_143, %add3A_144, %rem3A_135 : i32
    %mul3A_146 = arith.constant 256 : i32
    %mul3A_147 = arith.muli %select_n3A_145, %mul3A_146 : i32
    %run_scoped3A_148 = arith.constant 0 : i32
    "tpu.region"() ({
      %run_scoped3A_149 = tpu.sem_alloc : memref<!tpu.dma_semaphore, #tpu.memory_space<semaphore_mem>>
      %dma_start3A = tpu.memref_slice %arg3[%select_n3A_129, %run_scoped3A_148, %mul3A_147] : memref<8x1x512xf32, #tpu.memory_space<hbm>> -> memref<1x1x256xf32, #tpu.memory_space<hbm>>
      %dma_start3A_150 = tpu.memref_squeeze %dma_start3A : memref<1x1x256xf32, #tpu.memory_space<hbm>> -> memref<256xf32, #tpu.memory_space<hbm>>
      %dma_start3A_151 = tpu.memref_slice %arg3[%select_n3A_129, %run_scoped3A_148, %mul3A_147] : memref<8x1x512xf32, #tpu.memory_space<hbm>> -> memref<1x1x256xf32, #tpu.memory_space<hbm>>
      %dma_start3A_152 = tpu.memref_squeeze %dma_start3A_151 : memref<1x1x256xf32, #tpu.memory_space<hbm>> -> memref<256xf32, #tpu.memory_space<hbm>>
      tpu.enqueue_dma source(%arg5 : memref<256xf32, #tpu.memory_space<vmem>>) target(%dma_start3A_152 : memref<256xf32, #tpu.memory_space<hbm>>) target_semaphore(%run_scoped3A_149 : memref<!tpu.dma_semaphore, #tpu.memory_space<semaphore_mem>>)
      %dma_wait3A = tpu.memref_slice %arg3[%select_n3A_129, %run_scoped3A_148, %mul3A_147] : memref<8x1x512xf32, #tpu.memory_space<hbm>> -> memref<1x1x256xf32, #tpu.memory_space<hbm>>
      %dma_wait3A_153 = tpu.memref_squeeze %dma_wait3A : memref<1x1x256xf32, #tpu.memory_space<hbm>> -> memref<256xf32, #tpu.memory_space<hbm>>
      %dma_wait3A_154 = tpu.memref_slice %arg3[%select_n3A_129, %run_scoped3A_148, %mul3A_147] : memref<8x1x512xf32, #tpu.memory_space<hbm>> -> memref<1x1x256xf32, #tpu.memory_space<hbm>>
      %dma_wait3A_155 = tpu.memref_squeeze %dma_wait3A_154 : memref<1x1x256xf32, #tpu.memory_space<hbm>> -> memref<256xf32, #tpu.memory_space<hbm>>
      tpu.wait_dma2 semaphore(%run_scoped3A_149 : memref<!tpu.dma_semaphore, #tpu.memory_space<semaphore_mem>>) src(%arg5 : memref<256xf32, #tpu.memory_space<vmem>>) dst(%dma_wait3A_155 : memref<256xf32, #tpu.memory_space<hbm>>)
      tpu.yield
    }) : () -> ()
    return
  }
}

module attributes {stable_mosaic.version = 14 : i64} {
  func.func @_proj_body(%arg0: i32, %arg1: i32, %arg2: memref<1x2048x1024xf32, #tpu.memory_space<vmem>>, %arg3: memref<2048x1xf32, #tpu.memory_space<vmem>>, %arg4: memref<1x1x1024xf32, #tpu.memory_space<vmem>>) attributes {dimension_semantics = [#tpu.dimension_semantics<parallel>, #tpu.dimension_semantics<parallel>], iteration_bounds = array<i64: 8, 8>, scalar_prefetch = 0 : i64, scratch_operands = 0 : i64, tpu.core_type = #tpu.core_type<tc>, window_params = [{transform_indices = @transform_0, window_bounds = array<i64: 1, 2048, 1024>}, {pipeline_mode = #tpu.pipeline_mode<synchronous>, transform_indices = @transform_1, window_bounds = array<i64: 2048, 1>}, {transform_indices = @transform_2, window_bounds = array<i64: 1, 1, 1024>}]} {
    %get3A = arith.constant 0 : index
    %get3A_0 = arith.constant 0 : index
    %get3A_1 = arith.constant 0 : index
    %get3A_2 = vector.load %arg2[%get3A, %get3A_0, %get3A_1] : memref<1x2048x1024xf32, #tpu.memory_space<vmem>>, vector<1x2048x1024xf32>
    %get3A_3 = vector.shape_cast %get3A_2 : vector<1x2048x1024xf32> to vector<2048x1024xf32>
    %get3A_4 = arith.constant 0 : index
    %get3A_5 = arith.constant 0 : index
    %get3A_6 = vector.load %arg3[%get3A_4, %get3A_5] : memref<2048x1xf32, #tpu.memory_space<vmem>>, vector<2048x1xf32>
    %mul3A = vector.broadcast %get3A_6 : vector<2048x1xf32> to vector<2048x1024xf32>
    %mul3A_7 = arith.mulf %get3A_3, %mul3A : vector<2048x1024xf32>
    %reduce_sum3A = arith.constant dense<0.000000e+00> : vector<1024xf32>
    %reduce_sum3A_8 = vector.multi_reduction <add>, %mul3A_7, %reduce_sum3A [0] : vector<2048x1024xf32> to vector<1024xf32>
    %broadcast_in_dim3A = vector.shape_cast %reduce_sum3A_8 : vector<1024xf32> to vector<1x1024xf32>
    %swap3A = arith.constant 0 : index
    %swap3A_9 = arith.constant 0 : index
    %swap3A_10 = arith.constant 0 : index
    %swap3A_11 = vector.load %arg4[%swap3A, %swap3A_9, %swap3A_10] : memref<1x1x1024xf32, #tpu.memory_space<vmem>>, vector<1x1x1024xf32>
    %swap3A_12 = vector.shape_cast %swap3A_11 : vector<1x1x1024xf32> to vector<1x1024xf32>
    %swap3A_13 = vector.shape_cast %broadcast_in_dim3A : vector<1x1024xf32> to vector<1x1x1024xf32>
    tpu.vector_store %arg4[%swap3A, %swap3A_9, %swap3A_10], %swap3A_13 {strides = array<i32>} : memref<1x1x1024xf32, #tpu.memory_space<vmem>>, vector<1x1x1024xf32>,
    return
  }
  func.func @transform_0(%arg0: i32, %arg1: i32) -> (i32, i32, i32) {
    %c0_i32 = arith.constant 0 : i32
    %c0_i32_0 = arith.constant 0 : i32
    return %arg0, %c0_i32, %arg1 : i32, i32, i32
  }
  func.func @transform_1(%arg0: i32, %arg1: i32) -> (i32, i32) {
    %c0_i32 = arith.constant 0 : i32
    %c0_i32_0 = arith.constant 0 : i32
    %c0_i32_1 = arith.constant 0 : i32
    return %c0_i32, %c0_i32_0 : i32, i32
  }
  func.func @transform_2(%arg0: i32, %arg1: i32) -> (i32, i32, i32) {
    %c0_i32 = arith.constant 0 : i32
    %c0_i32_0 = arith.constant 0 : i32
    return %arg0, %c0_i32, %arg1 : i32, i32, i32
  }
}

module attributes {stable_mosaic.version = 14 : i64} {
  func.func @_head_body(%arg0: memref<8x1x512xf32, #tpu.memory_space<vmem>>, %arg1: memref<1x1xf32, #tpu.memory_space<vmem>>, %arg2: memref<16x200xf32, #tpu.memory_space<vmem>>, %arg3: memref<1x200xf32, #tpu.memory_space<vmem>>, %arg4: memref<200x100xf32, #tpu.memory_space<vmem>>, %arg5: memref<1x100xf32, #tpu.memory_space<vmem>>, %arg6: memref<100x1xf32, #tpu.memory_space<vmem>>, %arg7: memref<1x1xf32, #tpu.memory_space<vmem>>, %arg8: memref<8x1xf32, #tpu.memory_space<vmem>>) attributes {dimension_semantics = [], scalar_prefetch = 0 : i64, scratch_operands = 0 : i64, tpu.core_type = #tpu.core_type<tc>} {
    %get3A = arith.constant 0 : index
    %get3A_0 = arith.constant 0 : index
    %get3A_1 = arith.constant 0 : index
    %get3A_2 = vector.load %arg0[%get3A, %get3A_0, %get3A_1] : memref<8x1x512xf32, #tpu.memory_space<vmem>>, vector<8x1x512xf32>
    %get3A_3 = vector.shape_cast %get3A_2 : vector<8x1x512xf32> to vector<8x512xf32>
    %iota3A = tpu.iota {dimensions = array<i32: 1>} : vector<8x512xi32>
    %jit3A = arith.constant 256 : i32
    %eq3A = arith.constant 0 : i32
    %eq3A_4 = arith.cmpi eq, %jit3A, %eq3A : i32
    %jit3A_5 = arith.constant 1 : i32
    %select_n3A = arith.select %eq3A_4, %jit3A_5, %jit3A : i32
    %rem3A = vector.broadcast %select_n3A : i32 to vector<8x512xi32>
    %rem3A_6 = arith.remsi %iota3A, %rem3A : vector<8x512xi32>
    %ne3A = arith.constant 0 : i32
    %ne3A_7 = vector.broadcast %ne3A : i32 to vector<8x512xi32>
    %ne3A_8 = arith.cmpi ne, %rem3A_6, %ne3A_7 : vector<8x512xi32>
    %lt3A = arith.constant 0 : i32
    %lt3A_9 = vector.broadcast %lt3A : i32 to vector<8x512xi32>
    %lt3A_10 = arith.cmpi slt, %rem3A_6, %lt3A_9 : vector<8x512xi32>
    %lt3A_11 = arith.constant 0 : i32
    %lt3A_12 = arith.cmpi slt, %select_n3A, %lt3A_11 : i32
    %ne3A_13 = vector.broadcast %lt3A_12 : i1 to vector<8x512xi1>
    %ne3A_14 = vector.broadcast %ne3A_13 : vector<8x512xi1> to vector<8x512xi1>
    %ne3A_15 = arith.xori %lt3A_10, %ne3A_14 : vector<8x512xi1>
    %and3A = arith.andi %ne3A_15, %ne3A_8 : vector<8x512xi1>
    %add3A = vector.broadcast %select_n3A : i32 to vector<8x512xi32>
    %add3A_16 = arith.addi %rem3A_6, %add3A : vector<8x512xi32>
    %select_n3A_17 = arith.select %and3A, %add3A_16, %rem3A_6 : vector<8x512xi1>, vector<8x512xi32>
    %jit3A_18 = arith.constant 16 : i32
    %div3A = vector.broadcast %jit3A_18 : i32 to vector<8x512xi32>
    %div3A_19 = arith.divsi %select_n3A_17, %div3A : vector<8x512xi32>
    %sign3A = arith.constant 0 : i32
    %sign3A_20 = vector.broadcast %sign3A : i32 to vector<8x512xi32>
    %sign3A_21 = arith.cmpi sgt, %select_n3A_17, %sign3A_20 : vector<8x512xi32>
    %sign3A_22 = arith.extui %sign3A_21 : vector<8x512xi1> to vector<8x512xi32>
    %sign3A_23 = arith.constant 0 : i32
    %sign3A_24 = vector.broadcast %sign3A_23 : i32 to vector<8x512xi32>
    %sign3A_25 = arith.cmpi slt, %select_n3A_17, %sign3A_24 : vector<8x512xi32>
    %sign3A_26 = arith.extui %sign3A_25 : vector<8x512xi1> to vector<8x512xi32>
    %sign3A_27 = arith.subi %sign3A_22, %sign3A_26 : vector<8x512xi32>
    %sign3A_28 = arith.constant 0 : i32
    %sign3A_29 = arith.cmpi sgt, %jit3A_18, %sign3A_28 : i32
    %sign3A_30 = arith.extui %sign3A_29 : i1 to i32
    %sign3A_31 = arith.constant 0 : i32
    %sign3A_32 = arith.cmpi slt, %jit3A_18, %sign3A_31 : i32
    %sign3A_33 = arith.extui %sign3A_32 : i1 to i32
    %sign3A_34 = arith.subi %sign3A_30, %sign3A_33 : i32
    %ne3A_35 = vector.broadcast %sign3A_34 : i32 to vector<8x512xi32>
    %ne3A_36 = arith.cmpi ne, %sign3A_27, %ne3A_35 : vector<8x512xi32>
    %rem3A_37 = vector.broadcast %jit3A_18 : i32 to vector<8x512xi32>
    %rem3A_38 = arith.remsi %select_n3A_17, %rem3A_37 : vector<8x512xi32>
    %ne3A_39 = arith.constant 0 : i32
    %ne3A_40 = vector.broadcast %ne3A_39 : i32 to vector<8x512xi32>
    %ne3A_41 = arith.cmpi ne, %rem3A_38, %ne3A_40 : vector<8x512xi32>
    %and3A_42 = arith.andi %ne3A_36, %ne3A_41 : vector<8x512xi1>
    %sub3A = arith.constant 1 : i32
    %sub3A_43 = vector.broadcast %sub3A : i32 to vector<8x512xi32>
    %sub3A_44 = arith.subi %div3A_19, %sub3A_43 : vector<8x512xi32>
    %select_n3A_45 = arith.select %and3A_42, %sub3A_44, %div3A_19 : vector<8x512xi1>, vector<8x512xi32>
    %iota3A_46 = tpu.iota {dimensions = array<i32: 1>} : vector<8x16xi32>
    %broadcast_in_dim3A = arith.constant 0.000000e+00 : f32
    %broadcast_in_dim3A_47 = vector.broadcast %broadcast_in_dim3A : f32 to vector<8x16xf32>
    %lt3A_48 = arith.constant 5 : i32
    %lt3A_49 = vector.broadcast %lt3A_48 : i32 to vector<8x512xi32>
    %lt3A_50 = arith.cmpi slt, %select_n3A_45, %lt3A_49 : vector<8x512xi32>
    %jit3A_51 = arith.constant 0xFF800000 : f32
    %broadcast_in_dim3A_52 = vector.broadcast %jit3A_51 : f32 to vector<8x512xf32>
    %select_n3A_53 = arith.select %lt3A_50, %get3A_3, %broadcast_in_dim3A_52 : vector<8x512xi1>, vector<8x512xf32>
    %reduce_max3A = arith.constant dense<0xFF800000> : vector<8xf32>
    %reduce_max3A_54 = vector.multi_reduction <maximumf>, %select_n3A_53, %reduce_max3A [1] : vector<8x512xf32> to vector<8xf32>
    %broadcast_in_dim3A_55 = vector.shape_cast %reduce_max3A_54 : vector<8xf32> to vector<8x1xf32>
    %eq3A_56 = arith.constant 0 : i32
    %eq3A_57 = vector.broadcast %eq3A_56 : i32 to vector<8x16xi32>
    %eq3A_58 = arith.cmpi eq, %iota3A_46, %eq3A_57 : vector<8x16xi32>
    %broadcast_in_dim3A_59 = vector.shape_cast %broadcast_in_dim3A_55 : vector<8x1xf32> to vector<8x1xf32>
    %broadcast_in_dim3A_60 = vector.broadcast %broadcast_in_dim3A_59 : vector<8x1xf32> to vector<8x16xf32>
    %select_n3A_61 = arith.select %eq3A_58, %broadcast_in_dim3A_60, %broadcast_in_dim3A_47 : vector<8x16xi1>, vector<8x16xf32>
    %eq3A_62 = vector.broadcast %broadcast_in_dim3A_55 : vector<8x1xf32> to vector<8x512xf32>
    %eq3A_63 = arith.cmpf oeq, %select_n3A_53, %eq3A_62 : vector<8x512xf32>
    %jit3A_64 = arith.constant 512 : i32
    %broadcast_in_dim3A_65 = vector.broadcast %jit3A_64 : i32 to vector<8x512xi32>
    %select_n3A_66 = arith.select %eq3A_63, %iota3A, %broadcast_in_dim3A_65 : vector<8x512xi1>, vector<8x512xi32>
    %reduce_min3A = arith.constant dense<2147483647> : vector<8xi32>
    %reduce_min3A_67 = vector.multi_reduction <minsi>, %select_n3A_66, %reduce_min3A [1] : vector<8x512xi32> to vector<8xi32>
    %broadcast_in_dim3A_68 = vector.shape_cast %reduce_min3A_67 : vector<8xi32> to vector<8x1xi32>
    %eq3A_69 = vector.broadcast %broadcast_in_dim3A_68 : vector<8x1xi32> to vector<8x512xi32>
    %eq3A_70 = arith.cmpi eq, %iota3A, %eq3A_69 : vector<8x512xi32>
    %jit3A_71 = arith.constant 0xFF800000 : f32
    %broadcast_in_dim3A_72 = vector.broadcast %jit3A_71 : f32 to vector<8x512xf32>
    %select_n3A_73 = arith.select %eq3A_70, %broadcast_in_dim3A_72, %select_n3A_53 : vector<8x512xi1>, vector<8x512xf32>
    %reduce_max3A_74 = arith.constant dense<0xFF800000> : vector<8xf32>
    %reduce_max3A_75 = vector.multi_reduction <maximumf>, %select_n3A_73, %reduce_max3A_74 [1] : vector<8x512xf32> to vector<8xf32>
    %broadcast_in_dim3A_76 = vector.shape_cast %reduce_max3A_75 : vector<8xf32> to vector<8x1xf32>
    %eq3A_77 = arith.constant 1 : i32
    %eq3A_78 = vector.broadcast %eq3A_77 : i32 to vector<8x16xi32>
    %eq3A_79 = arith.cmpi eq, %iota3A_46, %eq3A_78 : vector<8x16xi32>
    %broadcast_in_dim3A_80 = vector.shape_cast %broadcast_in_dim3A_76 : vector<8x1xf32> to vector<8x1xf32>
    %broadcast_in_dim3A_81 = vector.broadcast %broadcast_in_dim3A_80 : vector<8x1xf32> to vector<8x16xf32>
    %select_n3A_82 = arith.select %eq3A_79, %broadcast_in_dim3A_81, %select_n3A_61 : vector<8x16xi1>, vector<8x16xf32>
    %eq3A_83 = vector.broadcast %broadcast_in_dim3A_76 : vector<8x1xf32> to vector<8x512xf32>
    %eq3A_84 = arith.cmpf oeq, %select_n3A_73, %eq3A_83 : vector<8x512xf32>
    %jit3A_85 = arith.constant 512 : i32
    %broadcast_in_dim3A_86 = vector.broadcast %jit3A_85 : i32 to vector<8x512xi32>
    %select_n3A_87 = arith.select %eq3A_84, %iota3A, %broadcast_in_dim3A_86 : vector<8x512xi1>, vector<8x512xi32>
    %reduce_min3A_88 = arith.constant dense<2147483647> : vector<8xi32>
    %reduce_min3A_89 = vector.multi_reduction <minsi>, %select_n3A_87, %reduce_min3A_88 [1] : vector<8x512xi32> to vector<8xi32>
    %broadcast_in_dim3A_90 = vector.shape_cast %reduce_min3A_89 : vector<8xi32> to vector<8x1xi32>
    %eq3A_91 = vector.broadcast %broadcast_in_dim3A_90 : vector<8x1xi32> to vector<8x512xi32>
    %eq3A_92 = arith.cmpi eq, %iota3A, %eq3A_91 : vector<8x512xi32>
    %jit3A_93 = arith.constant 0xFF800000 : f32
    %broadcast_in_dim3A_94 = vector.broadcast %jit3A_93 : f32 to vector<8x512xf32>
    %select_n3A_95 = arith.select %eq3A_92, %broadcast_in_dim3A_94, %select_n3A_73 : vector<8x512xi1>, vector<8x512xf32>
    %reduce_max3A_96 = arith.constant dense<0xFF800000> : vector<8xf32>
    %reduce_max3A_97 = vector.multi_reduction <maximumf>, %select_n3A_95, %reduce_max3A_96 [1] : vector<8x512xf32> to vector<8xf32>
    %broadcast_in_dim3A_98 = vector.shape_cast %reduce_max3A_97 : vector<8xf32> to vector<8x1xf32>
    %eq3A_99 = arith.constant 2 : i32
    %eq3A_100 = vector.broadcast %eq3A_99 : i32 to vector<8x16xi32>
    %eq3A_101 = arith.cmpi eq, %iota3A_46, %eq3A_100 : vector<8x16xi32>
    %broadcast_in_dim3A_102 = vector.shape_cast %broadcast_in_dim3A_98 : vector<8x1xf32> to vector<8x1xf32>
    %broadcast_in_dim3A_103 = vector.broadcast %broadcast_in_dim3A_102 : vector<8x1xf32> to vector<8x16xf32>
    %select_n3A_104 = arith.select %eq3A_101, %broadcast_in_dim3A_103, %select_n3A_82 : vector<8x16xi1>, vector<8x16xf32>
    %eq3A_105 = vector.broadcast %broadcast_in_dim3A_98 : vector<8x1xf32> to vector<8x512xf32>
    %eq3A_106 = arith.cmpf oeq, %select_n3A_95, %eq3A_105 : vector<8x512xf32>
    %jit3A_107 = arith.constant 512 : i32
    %broadcast_in_dim3A_108 = vector.broadcast %jit3A_107 : i32 to vector<8x512xi32>
    %select_n3A_109 = arith.select %eq3A_106, %iota3A, %broadcast_in_dim3A_108 : vector<8x512xi1>, vector<8x512xi32>
    %reduce_min3A_110 = arith.constant dense<2147483647> : vector<8xi32>
    %reduce_min3A_111 = vector.multi_reduction <minsi>, %select_n3A_109, %reduce_min3A_110 [1] : vector<8x512xi32> to vector<8xi32>
    %broadcast_in_dim3A_112 = vector.shape_cast %reduce_min3A_111 : vector<8xi32> to vector<8x1xi32>
    %eq3A_113 = vector.broadcast %broadcast_in_dim3A_112 : vector<8x1xi32> to vector<8x512xi32>
    %eq3A_114 = arith.cmpi eq, %iota3A, %eq3A_113 : vector<8x512xi32>
    %jit3A_115 = arith.constant 0xFF800000 : f32
    %broadcast_in_dim3A_116 = vector.broadcast %jit3A_115 : f32 to vector<8x512xf32>
    %select_n3A_117 = arith.select %eq3A_114, %broadcast_in_dim3A_116, %select_n3A_95 : vector<8x512xi1>, vector<8x512xf32>
    %reduce_max3A_118 = arith.constant dense<0xFF800000> : vector<8xf32>
    %reduce_max3A_119 = vector.multi_reduction <maximumf>, %select_n3A_117, %reduce_max3A_118 [1] : vector<8x512xf32> to vector<8xf32>
    %broadcast_in_dim3A_120 = vector.shape_cast %reduce_max3A_119 : vector<8xf32> to vector<8x1xf32>
    %eq3A_121 = arith.constant 3 : i32
    %eq3A_122 = vector.broadcast %eq3A_121 : i32 to vector<8x16xi32>
    %eq3A_123 = arith.cmpi eq, %iota3A_46, %eq3A_122 : vector<8x16xi32>
    %broadcast_in_dim3A_124 = vector.shape_cast %broadcast_in_dim3A_120 : vector<8x1xf32> to vector<8x1xf32>
    %broadcast_in_dim3A_125 = vector.broadcast %broadcast_in_dim3A_124 : vector<8x1xf32> to vector<8x16xf32>
    %select_n3A_126 = arith.select %eq3A_123, %broadcast_in_dim3A_125, %select_n3A_104 : vector<8x16xi1>, vector<8x16xf32>
    %eq3A_127 = vector.broadcast %broadcast_in_dim3A_120 : vector<8x1xf32> to vector<8x512xf32>
    %eq3A_128 = arith.cmpf oeq, %select_n3A_117, %eq3A_127 : vector<8x512xf32>
    %jit3A_129 = arith.constant 512 : i32
    %broadcast_in_dim3A_130 = vector.broadcast %jit3A_129 : i32 to vector<8x512xi32>
    %select_n3A_131 = arith.select %eq3A_128, %iota3A, %broadcast_in_dim3A_130 : vector<8x512xi1>, vector<8x512xi32>
    %reduce_min3A_132 = arith.constant dense<2147483647> : vector<8xi32>
    %reduce_min3A_133 = vector.multi_reduction <minsi>, %select_n3A_131, %reduce_min3A_132 [1] : vector<8x512xi32> to vector<8xi32>
    %broadcast_in_dim3A_134 = vector.shape_cast %reduce_min3A_133 : vector<8xi32> to vector<8x1xi32>
    %eq3A_135 = vector.broadcast %broadcast_in_dim3A_134 : vector<8x1xi32> to vector<8x512xi32>
    %eq3A_136 = arith.cmpi eq, %iota3A, %eq3A_135 : vector<8x512xi32>
    %jit3A_137 = arith.constant 0xFF800000 : f32
    %broadcast_in_dim3A_138 = vector.broadcast %jit3A_137 : f32 to vector<8x512xf32>
    %select_n3A_139 = arith.select %eq3A_136, %broadcast_in_dim3A_138, %select_n3A_117 : vector<8x512xi1>, vector<8x512xf32>
    %reduce_max3A_140 = arith.constant dense<0xFF800000> : vector<8xf32>
    %reduce_max3A_141 = vector.multi_reduction <maximumf>, %select_n3A_139, %reduce_max3A_140 [1] : vector<8x512xf32> to vector<8xf32>
    %broadcast_in_dim3A_142 = vector.shape_cast %reduce_max3A_141 : vector<8xf32> to vector<8x1xf32>
    %eq3A_143 = arith.constant 4 : i32
    %eq3A_144 = vector.broadcast %eq3A_143 : i32 to vector<8x16xi32>
    %eq3A_145 = arith.cmpi eq, %iota3A_46, %eq3A_144 : vector<8x16xi32>
    %broadcast_in_dim3A_146 = vector.shape_cast %broadcast_in_dim3A_142 : vector<8x1xf32> to vector<8x1xf32>
    %broadcast_in_dim3A_147 = vector.broadcast %broadcast_in_dim3A_146 : vector<8x1xf32> to vector<8x16xf32>
    %select_n3A_148 = arith.select %eq3A_145, %broadcast_in_dim3A_147, %select_n3A_126 : vector<8x16xi1>, vector<8x16xf32>
    %ge3A = arith.constant 5 : i32
    %ge3A_149 = vector.broadcast %ge3A : i32 to vector<8x512xi32>
    %ge3A_150 = arith.cmpi sge, %select_n3A_45, %ge3A_149 : vector<8x512xi32>
    %lt3A_151 = arith.constant 10 : i32
    %lt3A_152 = vector.broadcast %lt3A_151 : i32 to vector<8x512xi32>
    %lt3A_153 = arith.cmpi slt, %select_n3A_45, %lt3A_152 : vector<8x512xi32>
    %and3A_154 = arith.andi %ge3A_150, %lt3A_153 : vector<8x512xi1>
    %jit3A_155 = arith.constant 0x7F800000 : f32
    %broadcast_in_dim3A_156 = vector.broadcast %jit3A_155 : f32 to vector<8x512xf32>
    %select_n3A_157 = arith.select %and3A_154, %get3A_3, %broadcast_in_dim3A_156 : vector<8x512xi1>, vector<8x512xf32>
    %reduce_min3A_158 = arith.constant dense<0x7F800000> : vector<8xf32>
    %reduce_min3A_159 = vector.multi_reduction <minimumf>, %select_n3A_157, %reduce_min3A_158 [1] : vector<8x512xf32> to vector<8xf32>
    %broadcast_in_dim3A_160 = vector.shape_cast %reduce_min3A_159 : vector<8xf32> to vector<8x1xf32>
    %eq3A_161 = arith.constant 5 : i32
    %eq3A_162 = vector.broadcast %eq3A_161 : i32 to vector<8x16xi32>
    %eq3A_163 = arith.cmpi eq, %iota3A_46, %eq3A_162 : vector<8x16xi32>
    %broadcast_in_dim3A_164 = vector.shape_cast %broadcast_in_dim3A_160 : vector<8x1xf32> to vector<8x1xf32>
    %broadcast_in_dim3A_165 = vector.broadcast %broadcast_in_dim3A_164 : vector<8x1xf32> to vector<8x16xf32>
    %select_n3A_166 = arith.select %eq3A_163, %broadcast_in_dim3A_165, %select_n3A_148 : vector<8x16xi1>, vector<8x16xf32>
    %eq3A_167 = vector.broadcast %broadcast_in_dim3A_160 : vector<8x1xf32> to vector<8x512xf32>
    %eq3A_168 = arith.cmpf oeq, %select_n3A_157, %eq3A_167 : vector<8x512xf32>
    %jit3A_169 = arith.constant 512 : i32
    %broadcast_in_dim3A_170 = vector.broadcast %jit3A_169 : i32 to vector<8x512xi32>
    %select_n3A_171 = arith.select %eq3A_168, %iota3A, %broadcast_in_dim3A_170 : vector<8x512xi1>, vector<8x512xi32>
    %reduce_min3A_172 = arith.constant dense<2147483647> : vector<8xi32>
    %reduce_min3A_173 = vector.multi_reduction <minsi>, %select_n3A_171, %reduce_min3A_172 [1] : vector<8x512xi32> to vector<8xi32>
    %broadcast_in_dim3A_174 = vector.shape_cast %reduce_min3A_173 : vector<8xi32> to vector<8x1xi32>
    %eq3A_175 = vector.broadcast %broadcast_in_dim3A_174 : vector<8x1xi32> to vector<8x512xi32>
    %eq3A_176 = arith.cmpi eq, %iota3A, %eq3A_175 : vector<8x512xi32>
    %jit3A_177 = arith.constant 0x7F800000 : f32
    %broadcast_in_dim3A_178 = vector.broadcast %jit3A_177 : f32 to vector<8x512xf32>
    %select_n3A_179 = arith.select %eq3A_176, %broadcast_in_dim3A_178, %select_n3A_157 : vector<8x512xi1>, vector<8x512xf32>
    %reduce_min3A_180 = arith.constant dense<0x7F800000> : vector<8xf32>
    %reduce_min3A_181 = vector.multi_reduction <minimumf>, %select_n3A_179, %reduce_min3A_180 [1] : vector<8x512xf32> to vector<8xf32>
    %broadcast_in_dim3A_182 = vector.shape_cast %reduce_min3A_181 : vector<8xf32> to vector<8x1xf32>
    %eq3A_183 = arith.constant 6 : i32
    %eq3A_184 = vector.broadcast %eq3A_183 : i32 to vector<8x16xi32>
    %eq3A_185 = arith.cmpi eq, %iota3A_46, %eq3A_184 : vector<8x16xi32>
    %broadcast_in_dim3A_186 = vector.shape_cast %broadcast_in_dim3A_182 : vector<8x1xf32> to vector<8x1xf32>
    %broadcast_in_dim3A_187 = vector.broadcast %broadcast_in_dim3A_186 : vector<8x1xf32> to vector<8x16xf32>
    %select_n3A_188 = arith.select %eq3A_185, %broadcast_in_dim3A_187, %select_n3A_166 : vector<8x16xi1>, vector<8x16xf32>
    %eq3A_189 = vector.broadcast %broadcast_in_dim3A_182 : vector<8x1xf32> to vector<8x512xf32>
    %eq3A_190 = arith.cmpf oeq, %select_n3A_179, %eq3A_189 : vector<8x512xf32>
    %jit3A_191 = arith.constant 512 : i32
    %broadcast_in_dim3A_192 = vector.broadcast %jit3A_191 : i32 to vector<8x512xi32>
    %select_n3A_193 = arith.select %eq3A_190, %iota3A, %broadcast_in_dim3A_192 : vector<8x512xi1>, vector<8x512xi32>
    %reduce_min3A_194 = arith.constant dense<2147483647> : vector<8xi32>
    %reduce_min3A_195 = vector.multi_reduction <minsi>, %select_n3A_193, %reduce_min3A_194 [1] : vector<8x512xi32> to vector<8xi32>
    %broadcast_in_dim3A_196 = vector.shape_cast %reduce_min3A_195 : vector<8xi32> to vector<8x1xi32>
    %eq3A_197 = vector.broadcast %broadcast_in_dim3A_196 : vector<8x1xi32> to vector<8x512xi32>
    %eq3A_198 = arith.cmpi eq, %iota3A, %eq3A_197 : vector<8x512xi32>
    %jit3A_199 = arith.constant 0x7F800000 : f32
    %broadcast_in_dim3A_200 = vector.broadcast %jit3A_199 : f32 to vector<8x512xf32>
    %select_n3A_201 = arith.select %eq3A_198, %broadcast_in_dim3A_200, %select_n3A_179 : vector<8x512xi1>, vector<8x512xf32>
    %reduce_min3A_202 = arith.constant dense<0x7F800000> : vector<8xf32>
    %reduce_min3A_203 = vector.multi_reduction <minimumf>, %select_n3A_201, %reduce_min3A_202 [1] : vector<8x512xf32> to vector<8xf32>
    %broadcast_in_dim3A_204 = vector.shape_cast %reduce_min3A_203 : vector<8xf32> to vector<8x1xf32>
    %eq3A_205 = arith.constant 7 : i32
    %eq3A_206 = vector.broadcast %eq3A_205 : i32 to vector<8x16xi32>
    %eq3A_207 = arith.cmpi eq, %iota3A_46, %eq3A_206 : vector<8x16xi32>
    %broadcast_in_dim3A_208 = vector.shape_cast %broadcast_in_dim3A_204 : vector<8x1xf32> to vector<8x1xf32>
    %broadcast_in_dim3A_209 = vector.broadcast %broadcast_in_dim3A_208 : vector<8x1xf32> to vector<8x16xf32>
    %select_n3A_210 = arith.select %eq3A_207, %broadcast_in_dim3A_209, %select_n3A_188 : vector<8x16xi1>, vector<8x16xf32>
    %eq3A_211 = vector.broadcast %broadcast_in_dim3A_204 : vector<8x1xf32> to vector<8x512xf32>
    %eq3A_212 = arith.cmpf oeq, %select_n3A_201, %eq3A_211 : vector<8x512xf32>
    %jit3A_213 = arith.constant 512 : i32
    %broadcast_in_dim3A_214 = vector.broadcast %jit3A_213 : i32 to vector<8x512xi32>
    %select_n3A_215 = arith.select %eq3A_212, %iota3A, %broadcast_in_dim3A_214 : vector<8x512xi1>, vector<8x512xi32>
    %reduce_min3A_216 = arith.constant dense<2147483647> : vector<8xi32>
    %reduce_min3A_217 = vector.multi_reduction <minsi>, %select_n3A_215, %reduce_min3A_216 [1] : vector<8x512xi32> to vector<8xi32>
    %broadcast_in_dim3A_218 = vector.shape_cast %reduce_min3A_217 : vector<8xi32> to vector<8x1xi32>
    %eq3A_219 = vector.broadcast %broadcast_in_dim3A_218 : vector<8x1xi32> to vector<8x512xi32>
    %eq3A_220 = arith.cmpi eq, %iota3A, %eq3A_219 : vector<8x512xi32>
    %jit3A_221 = arith.constant 0x7F800000 : f32
    %broadcast_in_dim3A_222 = vector.broadcast %jit3A_221 : f32 to vector<8x512xf32>
    %select_n3A_223 = arith.select %eq3A_220, %broadcast_in_dim3A_222, %select_n3A_201 : vector<8x512xi1>, vector<8x512xf32>
    %reduce_min3A_224 = arith.constant dense<0x7F800000> : vector<8xf32>
    %reduce_min3A_225 = vector.multi_reduction <minimumf>, %select_n3A_223, %reduce_min3A_224 [1] : vector<8x512xf32> to vector<8xf32>
    %broadcast_in_dim3A_226 = vector.shape_cast %reduce_min3A_225 : vector<8xf32> to vector<8x1xf32>
    %eq3A_227 = arith.constant 8 : i32
    %eq3A_228 = vector.broadcast %eq3A_227 : i32 to vector<8x16xi32>
    %eq3A_229 = arith.cmpi eq, %iota3A_46, %eq3A_228 : vector<8x16xi32>
    %broadcast_in_dim3A_230 = vector.shape_cast %broadcast_in_dim3A_226 : vector<8x1xf32> to vector<8x1xf32>
    %broadcast_in_dim3A_231 = vector.broadcast %broadcast_in_dim3A_230 : vector<8x1xf32> to vector<8x16xf32>
    %select_n3A_232 = arith.select %eq3A_229, %broadcast_in_dim3A_231, %select_n3A_210 : vector<8x16xi1>, vector<8x16xf32>
    %eq3A_233 = vector.broadcast %broadcast_in_dim3A_226 : vector<8x1xf32> to vector<8x512xf32>
    %eq3A_234 = arith.cmpf oeq, %select_n3A_223, %eq3A_233 : vector<8x512xf32>
    %jit3A_235 = arith.constant 512 : i32
    %broadcast_in_dim3A_236 = vector.broadcast %jit3A_235 : i32 to vector<8x512xi32>
    %select_n3A_237 = arith.select %eq3A_234, %iota3A, %broadcast_in_dim3A_236 : vector<8x512xi1>, vector<8x512xi32>
    %reduce_min3A_238 = arith.constant dense<2147483647> : vector<8xi32>
    %reduce_min3A_239 = vector.multi_reduction <minsi>, %select_n3A_237, %reduce_min3A_238 [1] : vector<8x512xi32> to vector<8xi32>
    %broadcast_in_dim3A_240 = vector.shape_cast %reduce_min3A_239 : vector<8xi32> to vector<8x1xi32>
    %eq3A_241 = vector.broadcast %broadcast_in_dim3A_240 : vector<8x1xi32> to vector<8x512xi32>
    %eq3A_242 = arith.cmpi eq, %iota3A, %eq3A_241 : vector<8x512xi32>
    %jit3A_243 = arith.constant 0x7F800000 : f32
    %broadcast_in_dim3A_244 = vector.broadcast %jit3A_243 : f32 to vector<8x512xf32>
    %select_n3A_245 = arith.select %eq3A_242, %broadcast_in_dim3A_244, %select_n3A_223 : vector<8x512xi1>, vector<8x512xf32>
    %reduce_min3A_246 = arith.constant dense<0x7F800000> : vector<8xf32>
    %reduce_min3A_247 = vector.multi_reduction <minimumf>, %select_n3A_245, %reduce_min3A_246 [1] : vector<8x512xf32> to vector<8xf32>
    %broadcast_in_dim3A_248 = vector.shape_cast %reduce_min3A_247 : vector<8xf32> to vector<8x1xf32>
    %eq3A_249 = arith.constant 9 : i32
    %eq3A_250 = vector.broadcast %eq3A_249 : i32 to vector<8x16xi32>
    %eq3A_251 = arith.cmpi eq, %iota3A_46, %eq3A_250 : vector<8x16xi32>
    %broadcast_in_dim3A_252 = vector.shape_cast %broadcast_in_dim3A_248 : vector<8x1xf32> to vector<8x1xf32>
    %broadcast_in_dim3A_253 = vector.broadcast %broadcast_in_dim3A_252 : vector<8x1xf32> to vector<8x16xf32>
    %select_n3A_254 = arith.select %eq3A_251, %broadcast_in_dim3A_253, %select_n3A_232 : vector<8x16xi1>, vector<8x16xf32>
    %get3A_255 = arith.constant 0 : index
    %get3A_256 = arith.constant 0 : index
    %get3A_257 = vector.load %arg1[%get3A_255, %get3A_256] : memref<1x1xf32, #tpu.memory_space<vmem>>, vector<1x1xf32>
    %get3A_258 = vector.extract %get3A_257[0, 0] : f32 from vector<1x1xf32>
    %add3A_259 = vector.broadcast %get3A_258 : f32 to vector<8x16xf32>
    %add3A_260 = arith.addf %select_n3A_254, %add3A_259 : vector<8x16xf32>
    %get3A_261 = arith.constant 0 : index
    %get3A_262 = arith.constant 0 : index
    %get3A_263 = vector.load %arg2[%get3A_261, %get3A_262] : memref<16x200xf32, #tpu.memory_space<vmem>>, vector<16x200xf32>
    %dot_general3A = arith.constant dense<0.000000e+00> : vector<8x200xf32>
    %dot_general3A_264 = tpu.matmul %add3A_260, %get3A_263, %dot_general3A {dimension_numbers = #tpu.dot_dimension_numbers<[1], [0], [0], [1], [0, 0, 1, 1], [], []>, transpose_lhs_hint = false} : vector<8x16xf32>, vector<16x200xf32>, vector<8x200xf32> -> vector<8x200xf32>
    %get3A_265 = arith.constant 0 : index
    %get3A_266 = arith.constant 0 : index
    %get3A_267 = vector.load %arg3[%get3A_265, %get3A_266] : memref<1x200xf32, #tpu.memory_space<vmem>>, vector<1x200xf32>
    %add3A_268 = vector.broadcast %get3A_267 : vector<1x200xf32> to vector<8x200xf32>
    %add3A_269 = arith.addf %dot_general3A_264, %add3A_268 : vector<8x200xf32>
    %logistic3A = arith.negf %add3A_269 : vector<8x200xf32>
    %logistic3A_270 = math.exp %logistic3A : vector<8x200xf32>
    %logistic3A_271 = arith.constant 1.000000e+00 : f32
    %logistic3A_272 = vector.broadcast %logistic3A_271 : f32 to vector<8x200xf32>
    %logistic3A_273 = arith.addf %logistic3A_272, %logistic3A_270 : vector<8x200xf32>
    %logistic3A_274 = arith.divf %logistic3A_272, %logistic3A_273 : vector<8x200xf32>
    %get3A_275 = arith.constant 0 : index
    %get3A_276 = arith.constant 0 : index
    %get3A_277 = vector.load %arg4[%get3A_275, %get3A_276] : memref<200x100xf32, #tpu.memory_space<vmem>>, vector<200x100xf32>
    %dot_general3A_278 = arith.constant dense<0.000000e+00> : vector<8x100xf32>
    %dot_general3A_279 = tpu.matmul %logistic3A_274, %get3A_277, %dot_general3A_278 {dimension_numbers = #tpu.dot_dimension_numbers<[1], [0], [0], [1], [0, 0, 1, 1], [], []>, transpose_lhs_hint = false} : vector<8x200xf32>, vector<200x100xf32>, vector<8x100xf32> -> vector<8x100xf32>
    %get3A_280 = arith.constant 0 : index
    %get3A_281 = arith.constant 0 : index
    %get3A_282 = vector.load %arg5[%get3A_280, %get3A_281] : memref<1x100xf32, #tpu.memory_space<vmem>>, vector<1x100xf32>
    %add3A_283 = vector.broadcast %get3A_282 : vector<1x100xf32> to vector<8x100xf32>
    %add3A_284 = arith.addf %dot_general3A_279, %add3A_283 : vector<8x100xf32>
    %logistic3A_285 = arith.negf %add3A_284 : vector<8x100xf32>
    %logistic3A_286 = math.exp %logistic3A_285 : vector<8x100xf32>
    %logistic3A_287 = arith.constant 1.000000e+00 : f32
    %logistic3A_288 = vector.broadcast %logistic3A_287 : f32 to vector<8x100xf32>
    %logistic3A_289 = arith.addf %logistic3A_288, %logistic3A_286 : vector<8x100xf32>
    %logistic3A_290 = arith.divf %logistic3A_288, %logistic3A_289 : vector<8x100xf32>
    %get3A_291 = arith.constant 0 : index
    %get3A_292 = arith.constant 0 : index
    %get3A_293 = vector.load %arg6[%get3A_291, %get3A_292] : memref<100x1xf32, #tpu.memory_space<vmem>>, vector<100x1xf32>
    %dot_general3A_294 = arith.constant dense<0.000000e+00> : vector<8x1xf32>
    %dot_general3A_295 = tpu.matmul %logistic3A_290, %get3A_293, %dot_general3A_294 {dimension_numbers = #tpu.dot_dimension_numbers<[1], [0], [0], [1], [0, 0, 1, 1], [], []>, transpose_lhs_hint = false} : vector<8x100xf32>, vector<100x1xf32>, vector<8x1xf32> -> vector<8x1xf32>
    %get3A_296 = arith.constant 0 : index
    %get3A_297 = arith.constant 0 : index
    %get3A_298 = vector.load %arg7[%get3A_296, %get3A_297] : memref<1x1xf32, #tpu.memory_space<vmem>>, vector<1x1xf32>
    %add3A_299 = vector.broadcast %get3A_298 : vector<1x1xf32> to vector<8x1xf32>
    %add3A_300 = arith.addf %dot_general3A_295, %add3A_299 : vector<8x1xf32>
    %logistic3A_301 = arith.negf %add3A_300 : vector<8x1xf32>
    %logistic3A_302 = math.exp %logistic3A_301 : vector<8x1xf32>
    %logistic3A_303 = arith.constant 1.000000e+00 : f32
    %logistic3A_304 = vector.broadcast %logistic3A_303 : f32 to vector<8x1xf32>
    %logistic3A_305 = arith.addf %logistic3A_304, %logistic3A_302 : vector<8x1xf32>
    %logistic3A_306 = arith.divf %logistic3A_304, %logistic3A_305 : vector<8x1xf32>
    %swap3A = arith.constant 0 : index
    %swap3A_307 = arith.constant 0 : index
    %swap3A_308 = vector.load %arg8[%swap3A, %swap3A_307] : memref<8x1xf32, #tpu.memory_space<vmem>>, vector<8x1xf32>
    tpu.vector_store %arg8[%swap3A, %swap3A_307], %logistic3A_306 {strides = array<i32>} : memref<8x1xf32, #tpu.memory_space<vmem>>, vector<8x1xf32>,
    return
  }
}

</mosaic_0001>

<sc_bundles>
// kernel: kernel.5.cloned.1.call-start
scs
__scs_entry_jumppad:
0x0: {  	(pc) =	sbr.rel $0x88, $3  }
0x1: {  	(tag) =	ssettag $0x0;
	lr =	simm.s32 $0x1  }
0x2: {  	[smem:$0x3F98] =	sst lr;
	_ =	strace $0xD0000000  }
0x3: {  	_ = 	snop  }
0x4: {  	_ = 	snop  }
0x5: {  	_ = 	snop  }
0x6: {  	_ = 	snop  }
0x7: {  	_ = 	snop  }
__scs_overlays_trampoline_lowered:
0x8: {  	[smem:$0x3FA7] =	sst s0  }
0x9: {  	[smem:$0x3FA8] =	sst s1  }
0xa: {  	[smem:$0x3FA9] =	sst s2  }
0xb: {  	[smem:$0x3FAA] =	sst s3  }
0xc: {  	[smem:$0x3FAB] =	sst s4  }
0xd: {  	[smem:$0x3FAC] =	sst s5  }
0xe: {  	[smem:$0x3FAD] =	sst s6  }
0xf: {  	[smem:$0x3FAE] =	sst s7  }
0x10: {  	[smem:$0x3FAF] =	sst s8  }
0x11: {  	[smem:$0x3FB0] =	sst s9;
	s0 =	simm.s32 @!p0 $0x0  }
0x12: {  	s1 =	sld [smem:$0x3F96];
	s0 =	simm.s32 @p0 $0x1  }
0x13: {  	[smem:$0x3FB1] =	sst s0;
	s0 =	simm.s32 @!p1 $0x0  }
0x14: {  	s2 =	sld [smem:$0x3F95];
	s0 =	simm.s32 @p1 $0x1  }
0x15: {  	[smem:$0x3FB2] =	sst s0;
	s0 =	simm.s32 @!p2 $0x0  }
0x16: {  	s3 =	sld [smem:$0x3FDB];
	s0 =	simm.s32 @p2 $0x1  }
0x17: {  	s4 =	simm.s32 $0x1BF5;
	[smem:$0x3FB4] =	sst s0  }
0x18: {  	s0 =	sld [smem:$0x3F97];
	_ =	swait.ge [sflag:s4], $0x0  }
0x19: {  	s7 =	sld [smem:$0x3F98]  }
0x1a: {  	s8 =	sadd.s32 $0xFFFFE003, lr  }
0x1b: {  	s9 =	sadd.s32 $0xFFFFFEF7, lr;
	s5 =	simm.s32 $0xFFFFFFFF;
	p2 =	slt.u32 s8, $0xFFFFF086  }
0x1c: {  	p1 =	slt.u32 s9, $0xF7A;
	s5 =	simm.s32 @!p2 $0x0  }
0x1d: {  	s5 =	simm.s32 @p1 $0x1;
	p0 =	seq.s32 s7, s2  }
0x1e: {  	s7 =	smul.u32 @!p0 $0xF7A, s2;
	p2 =	seq.s32 @!p0 s5, $0x0  }
0x1f: {  	s9 =	smul.u32 $0xF7A, s1;
	s8 =	simm.s32 @!p0 $0x1BF5;
	p2 =	por !p2, p0  }
0x20: {  	[sflag:s8] =	ssyncset.s32 @!p0 $0xFFFFF086;
	s6 =	sadd.s32 @!p0 s3, s7;
	s7 =	simm.s32 @!p0 $0x108  }
0x21: {  	s3 =	sadd.s32 s3, s9;
	s6 =	sadd.s32 @!p0 $0x88, s6;
	s7 =	simm.s32 @p2 $0x1082  }
0x22: {  	[simem:s7], [sflag:s8] =	dma.local @!p0 [hbm:s6], $0xF7A  }
0x23: {  	s9 =	sor.u32 $0xD0000000, s2;
	s6 =	simm.s32 $0x108;
	_ =	swait.ge @!p0 [sflag:s8], $0x0  }
0x24: {  	s3 =	sadd.s32 $0x88, s3;
	s6 =	simm.s32 @!p1 $0x1082;
	[sflag:s4] =	ssyncset.s32 $0xFFFFF086  }
0x25: {  	[simem:s6], [sflag:s4] =	dma.local [hbm:s3], $0xF7A  }
0x26: {  	[smem:$0x3F98] =	sst s1;
	(tag) =	ssettag s2;
	_ =	strace s9  }
0x27: {  	s1 =	sld [smem:$0x3FA8]  }
0x28: {  	s2 =	sld [smem:$0x3FA9]  }
0x29: {  	s4 =	sld [smem:$0x3FAB]  }
0x2a: {  	p0 =	seq.s32 s5, $0x0;
	s5 =	sld [smem:$0x3FAC]  }
0x2b: {  	s6 =	sld [smem:$0x3FAD]  }
0x2c: {  	s7 =	sld [smem:$0x3FAE]  }
0x2d: {  	s3 =	simm.s32 $0x108;
	s8 =	sld [smem:$0x3FAF]  }
0x2e: {  	s3 =	simm.s32 @!p0 $0x1082;
	s9 =	sld [smem:$0x3FB0]  }
0x2f: {  	lr =	sadd.s32 s0, s3;
	s0 =	sld [smem:$0x3FA7]  }
0x30: {  	s3 =	sld [smem:$0x3FAA]  }
0x31: {  	[smem:$0x3FB3] =	sst s10  }
0x32: {  	s10 =	sld [smem:$0x3FB1];
	_ =	sdelay $0x3  }
0x33: {  	p0 =	seq.s32 s10, $0x1;
	s10 =	sld [smem:$0x3FB3];
	_ =	sdelay $0x3  }
0x34: {  	[smem:$0x3FB3] =	sst s10  }
0x35: {  	s10 =	sld [smem:$0x3FB2];
	_ =	sdelay $0x3  }
0x36: {  	p1 =	seq.s32 s10, $0x1;
	s10 =	sld [smem:$0x3FB3];
	_ =	sdelay $0x3  }
0x37: {  	[smem:$0x3FB3] =	sst s10  }
0x38: {  	s10 =	sld [smem:$0x3FB4]  }
0x39: {  	_ = 	snop;
	(pc) =	sbr.ind lr, $3  }
0x3a: {  	_ = 	snop  }
0x3b: {  	_ = 	snop  }
0x3c: {  	p2 =	seq.s32 s10, $0x1;
	s10 =	sld [smem:$0x3FB3]  }
0x3d: {  	_ =	shalt  }
0x3e: {  	_ =	shalt  }
0x3f: {  	_ =	shalt  }
0x40: {  	_ =	shalt  }
0x41: {  	_ =	shalt  }
0x42: {  	_ =	shalt  }
0x43: {  	_ =	shalt  }
0x44: {  	_ =	shalt  }
0x45: {  	_ =	shalt  }
0x46: {  	_ =	shalt  }
0x47: {  	_ =	shalt  }
0x48: {  	_ =	shalt  }
0x49: {  	_ =	shalt  }
0x4a: {  	_ =	shalt  }
0x4b: {  	_ =	shalt  }
0x4c: {  	_ =	shalt  }
0x4d: {  	_ =	shalt  }
0x4e: {  	_ =	shalt  }
0x4f: {  	_ =	shalt  }
0x50: {  	_ =	shalt  }
0x51: {  	_ =	shalt  }
0x52: {  	_ =	shalt  }
0x53: {  	_ =	shalt  }
0x54: {  	_ =	shalt  }
0x55: {  	_ =	shalt  }
0x56: {  	_ =	shalt  }
0x57: {  	_ =	shalt  }
0x58: {  	_ =	shalt  }
0x59: {  	_ =	shalt  }
0x5a: {  	_ =	shalt  }
0x5b: {  	_ =	shalt  }
0x5c: {  	_ =	shalt  }
0x5d: {  	_ =	shalt  }
0x5e: {  	_ =	shalt  }
0x5f: {  	_ =	shalt  }
0x60: {  	_ =	shalt  }
0x61: {  	_ =	shalt  }
0x62: {  	_ =	shalt  }
0x63: {  	_ =	shalt  }
0x64: {  	_ =	shalt  }
0x65: {  	_ =	shalt  }
0x66: {  	_ =	shalt  }
0x67: {  	_ =	shalt  }
0x68: {  	_ =	shalt  }
0x69: {  	_ =	shalt  }
0x6a: {  	_ =	shalt  }
0x6b: {  	_ =	shalt  }
0x6c: {  	_ =	shalt  }
0x6d: {  	_ =	shalt  }
0x6e: {  	_ =	shalt  }
0x6f: {  	_ =	shalt  }
0x70: {  	_ =	shalt  }
0x71: {  	_ =	shalt  }
0x72: {  	_ =	shalt  }
0x73: {  	_ =	shalt  }
0x74: {  	_ =	shalt  }
0x75: {  	_ =	shalt  }
0x76: {  	_ =	shalt  }
0x77: {  	_ =	shalt  }
0x78: {  	_ =	shalt  }
0x79: {  	_ =	shalt  }
0x7a: {  	_ =	shalt  }
0x7b: {  	_ =	shalt  }
0x7c: {  	_ =	shalt  }
0x7d: {  	_ =	shalt  }
0x7e: {  	_ =	shalt  }
0x7f: {  	_ =	shalt  }
0x80: {  	_ =	shalt  }
0x81: {  	_ =	shalt  }
0x82: {  	_ =	shalt  }
0x83: {  	_ =	shalt  }
0x84: {  	_ =	shalt  }
0x85: {  	_ =	shalt  }
0x86: {  	_ =	shalt  }
0x87: {  	_ =	shalt  }
.Lfunc_end0:
.L_simem_size_0:
called_computation_lowered:
.L_overlay_start_0:
0x88: {  	s0 =	sld [smem:$0x3FD9]  }
0x89: {  	s1 =	sld [smem:$0x3FFE];
	_ =	sdelay $0x3  }
0x8a: {  	s0 =	sadd.s32 s1, s0  }
0x8b: {  	[smem:$0x3FBF] =	sst s0  }
0x8c: {  	_ = 	snop  }
0x8d: {  	(tm) =	ssettm $0x1  }
0x8e: {  	s15 =	sld [smem:$0x3FFB];
	_ =	sdelay $0x3  }
0x8f: {  	_ =	strace s15  }
0x90: {  	s0 =	sld [smem:$0x3FFC];
	_ =	sdelay $0x3  }
0x91: {  	_ =	strace s0  }
0x92: {  	s0 =	sld [smem:$0x3FFD];
	_ =	sdelay $0x3  }
0x93: {  	_ =	strace s0  }
0x94: {  	_ =	strace $0x8FFFFFFF  }
0x95: {  	s16 =	sld [smem:$0x3FDB];
	_ =	sdelay $0x1  }
0x96: {  	s17 =	simm.s32 $_scs_section_size  }
0x97: {  	s2 =	simm.s32 $_size__tile_overlayer_lowered;
	s3 =	simm.s32 $_tile_overlayer_lowered  }
0x98: {  	s20 =	simm.s32 $0x1BFF;
	s19 =	sshll.u32 s3, $0x1;
	s0 =	sadd.s32 s17, s16  }
0x99: {  	s4 =	simm.s32 $0x0;
	s18 =	sshll.u32 s2, $0x1;
	s2 =	sadd.s32 s19, s0  }
0x9a: {  	[timem:s4], [sflag:s20] =	dma.local [hbm:s2], s18  }
0x9b: {  	_ =	swait.ge [sflag:s20], s18  }
0x9c: {  	s1 =	ssub.s32 $0x0, s18;
	[sflag:s20] =	ssyncset.done $0x0  }
0x9d: {  	[sflag:s20] =	ssyncadd.s32 s1;
	_ =	sdelay $0x1  }
0x9e: {  	s21 =	simm.s32 $0x1B8B  }
0x9f: {  	_ =	swait.ge [sflag:s21], $0x1  }
0xa0: {  	[sflag:s21] =	ssyncset.done $0x0  }
0xa1: {  	s23 =	simm.s32 $0x1B8E;
	s22 =	sld [smem:$0x3FFE];
	[sflag:s21] =	ssyncadd.s32 $0xFFFFFFFF  }
0xa2: {  	s24 =	simm.s32 $execute0_lowered;
	[smem:$0x3FD2] =	sst s23  }
0xa3: {  	s2 =	sshll.u32 s24, $0x1;
	_ =	strace $0x80000046;
	[dreg:$0x1] =	wrdreg $0xFFFFFFFF  }
0xa4: {  	s25 =	simm.s32 $_size_execute0_lowered;
	s0 =	sadd.s32 s0, s2;
	[dreg:$0x0] =	wrdreg $0x0  }
0xa5: {  	s2 =	sshll.u32 s25, $0x1;
	[dreg:$0x2] =	wrdreg s0  }
0xa6: {  	[dreg:$0x3] =	wrdreg s2  }
0xa7: {  	[dreg:$0x4] =	wrdreg $0xC0  }
0xa8: {  	_ =	task [dreg:s4], $0x5FFFF  }
0xa9: {  	[dreg:$0x1] =	wrdreg $0xFFFFFFFF  }
0xaa: {  	[dreg:$0x0] =	wrdreg $0x60  }
0xab: {  	[dreg:$0x2] =	wrdreg s22  }
0xac: {  	[dreg:$0x3] =	wrdreg $0x9  }
0xad: {  	_ =	task.clear_ibuf [dreg:s4], $0x4FFFF;
	_ =	strace $0x90000046  }
0xae: {  	s26 =	simm.s32 $0x9;
	_ =	strace $0x80000048  }
0xaf: {  	_ =	swait.ge [sflag:s26], $0x1  }
0xb0: {  	[sflag:s26] =	ssyncadd.s32 $0xFFFFFFFF  }
0xb1: {  	_ =	strace $0x90000048  }
0xb2: {  	_ =	sfence  }
0xb3: {  	s28 =	sld [smem:$0x0];
	_ =	sdelay $0x1  }
0xb4: {  	s29 =	srdreg.scid  }
0xb5: {  	s30 =	sshll.u32 s29, $0xD;
	s31 =	sshrl.u32 s29, $0x2  }
0xb6: {  	s1 =	sand.u32 $0x1, s29;
	s2 =	sand.u32 $0x4000, s30;
	s0 =	sadd.s32 s31, s28  }
0xb7: {  	s1 =	sor.u32 s2, s1;
	s0 =	sshll.u32 s0, $0x11  }
0xb8: {  	s0 =	sor.u32 s0, s1  }
0xb9: {  	s0 =	sadd.s32 $0x8F2B, s0  }
0xba: {  	[sflag:s0] =	ssyncadd.remote.s32 $0x1  }
0xbb: {  	_ =	sfence.sel $0xFFFF  }
0xbc: {  	[dreg:$0x0] =	wrdreg $0xFFFFFFFF;
	(pc) =	sbr.abs _section_cstart, $3  }
0xbd: {  	[dreg:$0x1] =	wrdreg $0xFFFFFFFF  }
0xbe: {  	_ =	task.clear_ibuf [dreg:s4], $0x2FFFF;
	_ =	strace $0x9FFFFFFF  }
0xbf: {  	(tm) =	ssettm $0x7FFFFFFF  }
tec
execute0_lowered:
.L_overlay_start_1:
0x0: {  	(tag) =	ssettag $0x1  }
0x1: {  	s0 =	stileid.u32  }
0x2: {  	s4 =	rddreg [dreg:$0x0];
	s2 =	sand.u32 $0x1, s0  }
0x3: {  	s1 =	rddreg [dreg:$0x1];
	s3 =	sshrl.u32 s0, $0x1;
	s5 =	sshll.u32 s2, $0x9  }
0x4: {  	s6 =	simm.s32 $0x0;
	s7 =	sshll.u32 s3, $0xA;
	s5 =	sadd.s32 s5, s4  }
0x5: {  	[smem:$0x7FF] =	sst s6;
	s5 =	sadd.s32 s7, s5  }
0x6: {  	s30 =	simm.s32 $0x1;
	_ =	strace $0x80000047;
	s5 =	sadd.s32 $0xE00, s5  }
0x7: {  	[tilespmem:s6], [sflag:$0x1] =	stream.linear.gather [hbm4b:s5+s6], $0x1000, $0x38;
	[tilespmem:$0x1100] =	vst v63  }
0x8: {  	_ =	swait.ge [sflag:s30], $0x1000  }
0x9: {  	[sflag:s30] =	ssyncset.done $0x0  }
0xa: {  	s31 =	simm.s32 $0x20;
	[sflag:s30] =	ssyncadd.s32 $0xFFFFF000  }
0xb: {  	v0 =	vld [tilespmem:s31+$0xFFFFFFE0]  }
0xc: {  	v4 =	vld [tilespmem:s31+$0xFFFFFFF0];
	_ =	sdelay $0x2  }
0xd: {  	v9 =	vimm.f32 $-Inf;
	v1 =	vimm.f32 $+Inf;
	v10 =	vld [tilespmem:s31+$0x0]  }
0xe: {  	v6 =	vmax.f32 v9, v0;
	v7 =	vmin.f32 v9, v0;
	v2 =	vmin.f32 v1, v0  }
0xf: {  	v0 =	vmax.f32 v1, v0;
	v8 =	vmax.f32 v9, v7;
	v11 =	vmin.f32 v6, v4  }
0x10: {  	v3 =	vmin.f32 v1, v0;
	v5 =	vmax.f32 v1, v0;
	v14 =	vmin.f32 v2, v4  }
0x11: {  	v2 =	vmax.f32 v2, v4;
	v7 =	vmin.f32 v9, v7;
	v13 =	vmax.f32 v8, v11  }
0x12: {  	v12 =	vmax.f32 v1, v5;
	v5 =	vmin.f32 v1, v5;
	v16 =	vmax.f32 v14, v10  }
0x13: {  	v0 =	vld [tilespmem:s31+$0x10];
	v17 =	vmin.f32 v3, v2;
	v2 =	vmax.f32 v3, v2;
	v3 =	vmin.f32 v14, v10  }
0x14: {  	v11 =	vmin.f32 v8, v11;
	v61 =	vmin.f32 v9, v7;
	v15 =	vmin.f32 v1, v12  }
0x15: {  	v12 =	vmax.f32 v1, v12;
	v18 =	vmin.f32 v5, v2;
	v2 =	vmax.f32 v5, v2  }
0x16: {  	v14 =	vmin.f32 v15, v2;
	v2 =	vmax.f32 v15, v2;
	v5 =	vmin.f32 v1, v12  }
0x17: {  	v20 =	vmax.f32 v9, v61;
	v15 =	vmin.f32 v17, v16;
	v19 =	vmin.f32 v5, v2  }
0x18: {  	v2 =	vmax.f32 v17, v16;
	v1 =	vmin.f32 v3, v0;
	v12 =	vmax.f32 v3, v0  }
0x19: {  	v5 =	vmin.f32 v18, v2;
	v16 =	vmax.f32 v18, v2;
	v3 =	vmax.f32 v15, v12  }
0x1a: {  	v2 =	vmin.f32 v15, v12;
	v15 =	vmin.f32 v14, v16;
	v12 =	vmax.f32 v14, v16  }
0x1b: {  	v14 =	vmax.f32 v6, v4;
	v6 =	vmax.f32 v9, v7;
	v60 =	vmax.f32 v5, v3  }
0x1c: {  	v8 =	vmax.f32 v6, v11;
	v62 =	vmin.f32 v6, v11;
	v7 =	vmax.f32 v14, v10  }
0x1d: {  	v11 =	vmin.f32 v9, v61;
	v14 =	vmin.f32 v14, v10;
	v10 =	vmin.f32 v19, v12  }
0x1e: {  	v4 =	vmin.f32 v15, v60;
	v6 =	vmin.f32 v7, v0;
	v9 =	vmax.f32 v9, v11  }
0x1f: {  	v11 =	vmax.f32 v20, v62;
	v63 =	vmin.f32 v20, v62;
	v12 =	vmax.f32 v13, v14  }
0x20: {  	s4 =	sadd.s32 $0x2E00, s4;
	s5 =	simm.s32 $0x0;
	s6 =	simm.s32 $0x60;
	v14 =	vmin.f32 v13, v14;
	v13 =	vmax.f32 v15, v60;
	v9 =	vmax.f32 v9, v63  }
.LBB2_1:
0x21: {  	v15 =	vld [tilespmem:s6+$0xFFFFFFE0];
	s5 =	sadd.s32 $0x4, s5;
	v16 =	vmax.f32 v8, v14;
	v8 =	vmin.f32 v8, v14;
	v10 =	vmin.f32 v10, v13  }
0x22: {  	v13 =	vld [tilespmem:s6+$0xFFFFFFF0];
	p0 =	slt.u32 s5, $0xFC;
	v14 =	vmax.f32 v11, v8;
	v8 =	vmin.f32 v11, v8;
	v11 =	vmin.f32 v12, v6  }
0x23: {  	v17 =	vld [tilespmem:s6+$0x0];
	v8 =	vmax.f32 v9, v8;
	v9 =	vmax.f32 v16, v11;
	v11 =	vmin.f32 v16, v11  }
0x24: {  	v0 =	vmax.f32 v7, v0;
	v16 =	vmax.f32 v14, v11;
	v7 =	vmin.f32 v14, v11  }
0x25: {  	v3 =	vmin.f32 v5, v3;
	v6 =	vmax.f32 v12, v6;
	v11 =	vmax.f32 v8, v7  }
0x26: {  	v7 =	vmax.f32 v0, v15;
	v8 =	vmin.f32 v0, v15;
	v5 =	vmin.f32 v1, v15  }
0x27: {  	v0 =	vmax.f32 v1, v15;
	v12 =	vmax.f32 v6, v8;
	v14 =	vmin.f32 v7, v13  }
0x28: {  	v1 =	vmin.f32 v2, v0;
	v2 =	vmax.f32 v2, v0;
	v15 =	vmax.f32 v12, v14;
	v0 =	vld [tilespmem:s6+$0x10]  }
0x29: {  	v19 =	vmin.f32 v5, v13;
	v5 =	vmax.f32 v5, v13;
	v18 =	vmax.f32 v3, v2  }
0x2a: {  	v2 =	vmin.f32 v3, v2;
	v20 =	vmax.f32 v19, v17;
	v3 =	vmin.f32 v4, v18  }
0x2b: {  	v4 =	vmax.f32 v4, v18;
	v18 =	vmin.f32 v1, v5;
	v1 =	vmax.f32 v1, v5  }
0x2c: {  	v21 =	vmin.f32 v2, v1;
	v1 =	vmax.f32 v2, v1;
	v2 =	vmin.f32 v19, v17  }
0x2d: {  	v22 =	vmin.f32 v18, v20;
	v19 =	vmin.f32 v3, v1;
	v3 =	vmax.f32 v3, v1  }
0x2e: {  	v4 =	vmin.f32 v10, v4;
	v1 =	vmin.f32 v2, v0;
	v2 =	vmax.f32 v2, v0  }
0x2f: {  	v10 =	vmin.f32 v4, v3;
	v4 =	vmax.f32 v18, v20;
	v3 =	vmax.f32 v22, v2  }
0x30: {  	v5 =	vmin.f32 v21, v4;
	v4 =	vmax.f32 v21, v4;
	v2 =	vmin.f32 v22, v2  }
0x31: {  	v12 =	vmin.f32 v12, v14;
	v18 =	vmin.f32 v19, v4;
	v14 =	vmax.f32 v19, v4  }
0x32: {  	v13 =	vmax.f32 v7, v13;
	v4 =	vmin.f32 v6, v8;
	v19 =	vmax.f32 v5, v3  }
0x33: {  	v6 =	vmax.f32 v9, v4;
	v9 =	vmin.f32 v9, v4;
	v4 =	vmin.f32 v18, v19  }
.Ltmp0:
0x34: {  	v7 =	vmax.f32 v13, v17;
	v8 =	vmax.f32 v6, v12;
	v12 =	vmin.f32 v6, v12;
	(pc) =	sbr.rel @p0 .LBB2_1-.Ltmp0, $4  }
0x35: {  	v20 =	vmax.f32 v16, v9;
	v9 =	vmin.f32 v16, v9;
	v6 =	vmin.f32 v7, v0  }
0x36: {  	v9 =	vmax.f32 v11, v9;
	v11 =	vmax.f32 v20, v12;
	v12 =	vmin.f32 v20, v12  }
0x37: {  	v13 =	vmin.f32 v13, v17;
	v10 =	vmin.f32 v10, v14;
	v9 =	vmax.f32 v9, v12  }
0x38: {  	s6 =	sadd.s32 $0x40, s6;
	v14 =	vmin.f32 v15, v13;
	v12 =	vmax.f32 v15, v13;
	v13 =	vmax.f32 v18, v19  }
0x39: {  	[tilespmem:$0x1050] =	vst v1  }
0x3a: {  	[tilespmem:$0x1060] =	vst v2  }
0x3b: {  	v0 =	vmax.f32 v7, v0;
	[tilespmem:$0x1080] =	vst v4  }
0x3c: {  	v56 =	vmax.f32 v12, v6;
	[tilespmem:$0x1000] =	vst v0  }
0x3d: {  	v61 =	vmin.f32 v5, v3;
	[tilespmem:$0x1010] =	vst v56  }
0x3e: {  	v62 =	vmin.f32 v10, v13;
	[tilespmem:$0x1070] =	vst v61  }
0x3f: {  	v63 =	vimm.f32 $0.0e+00;
	[tilespmem:$0x1090] =	vst v62  }
0x40: {  	[tilespmem:$0x10A0] =	vst v63  }
0x41: {  	[tilespmem:$0x10B0] =	vst v63  }
0x42: {  	[tilespmem:$0x10C0] =	vst v63  }
0x43: {  	v53 =	vmin.f32 v8, v14;
	[tilespmem:$0x10D0] =	vst v63  }
0x44: {  	v15 =	vmax.f32 v8, v14;
	v55 =	vmin.f32 v12, v6;
	v54 =	vmax.f32 v11, v53;
	[tilespmem:$0x10E0] =	vst v63  }
0x45: {  	v57 =	vmin.f32 v11, v53;
	v58 =	vmax.f32 v15, v55;
	v59 =	vmin.f32 v15, v55;
	[tilespmem:$0x10F0] =	vst v63  }
0x46: {  	s2 =	sshll.u32 s2, $0x5;
	v0 =	vmax.f32 v9, v57;
	v60 =	vmax.f32 v54, v59;
	v7 =	vmin.f32 v54, v59;
	[tilespmem:$0x1020] =	vst v58  }
0x47: {  	s3 =	sshll.u32 s3, $0x6;
	s29 =	simm.s32 $0x0;
	s2 =	sadd.s32 s4, s2;
	v0 =	vmax.f32 v0, v7;
	[tilespmem:$0x1030] =	vst v60  }
0x48: {  	s30 =	simm.s32 $0x1000;
	s31 =	simm.s32 $0x1;
	s2 =	sadd.s32 s3, s2;
	[tilespmem:$0x1040] =	vst v0  }
0x49: {  	[hbm4b:s2+s29] =	stream.linear.scatter [tilespmem:s30], [sflag:$0x1], $0x100, $0x38;
	[tilespmem:$0x1100] =	vst v63  }
0x4a: {  	_ =	swait.ge [sflag:s31], $0x100  }
0x4b: {  	[sflag:s31] =	ssyncset.done $0x0  }
0x4c: {  	[sflag:s31] =	ssyncadd.s32 $0xFFFFFF00  }
0x4d: {  	_ =	sfence.sel $0x180000  }
0x4e: {  	[bflag:$0x0] =	sbarrier.arrive $0xFFFF  }
0x4f: {  	p0 =	sne.s32 s0, $0x0;
	_ =	strace $0x90000047  }
0x50: {  	s0 =	sadd.s32 @!p0 $0x100000, s1;
	[bflag:$0x2] =	sbarrier.arrive $0xFFFF  }
0x51: {  	[sflag:s0] =	ssyncadd.tile.s32 @!p0 $0x1;
	_ =	shalt  }
.Lfunc_end2:
_tile_overlayer_lowered:
.L_overlay_start_2:
0x52: {  	(tag) =	ssettag $0x2  }
0x53: {  	s0 =	rddreg [dreg:$0x0];
	s2 =	stileid.u32  }
0x54: {  	s1 =	rddreg [dreg:$0x1];
	p0 =	sne.s32 s2, $0x0  }
0x55: {  	s3 =	rddreg [dreg:$0x2];
	[bflag:$0x3] =	sbarrier.arrive $0xFFFF;
	s2 =	simm.s32 @!p0 $0x1C01  }
0x56: {  	[timem:s3], [sflag:s2] =	dma.local @!p0 [hbm:s0], s1  }
0x57: {  	s0 =	simm.s32 @!p0 $0x1  }
0x58: {  	_ =	swait.ge @!p0 [sflag:s0], s1  }
0x59: {  	s1 =	ssub.s32 @!p0 $0x0, s1;
	[sflag:s0] =	ssyncset.done @!p0 $0x0  }
0x5a: {  	[sflag:s0] =	ssyncadd.s32 @!p0 s1  }
0x5b: {  	[bflag:$0x3] =	sbarrier.arrive $0xFFFF  }
0x5c: {  	_ =	shalt  }

</sc_bundles>
